<compile_context>
chip_gen: v7x
topology: tpu7x:2x2x1
jax: 0.10.2.dev20260603
libtpu: 0.0.44.dev20260713+nightly
codegen_flags: <defaults>
</compile_context>

<pallas_src>
import functools

import jax
import jax.numpy as jnp
from jax import lax
from jax.experimental import pallas as pl
from jax.experimental.pallas import tpu as pltpu
from jax.experimental.pallas import tpu_sc as plsc

N_NODES = 10000
N_EDGES = 320000
F = 128
H = 64

NC = 2
NS = 16
L = 16
NW = NC * NS
EPW = N_EDGES // NW
CH = 100
NCHUNK = EPW // CH
PASSES = 2
PCH = NCHUNK // PASSES
OUTER = PCH // 2
RPS = 624
TAIL = N_NODES - NS * RPS
WCHUNKS = tuple((j * 80, 80) for j in range(7)) + ((560, 64),)


def _quat_mat(w):
    r, i, j, k = jnp.split(w, 4, axis=1)
    r2 = jnp.concatenate([r, -i, -j, -k], axis=0)
    i2 = jnp.concatenate([i, r, -k, j], axis=0)
    j2 = jnp.concatenate([j, k, r, -i], axis=0)
    k2 = jnp.concatenate([k, -j, i, r], axis=0)
    return jnp.concatenate([r2, i2, j2, k2], axis=1)



def _spmm_body(sup_hbm, src_hbm, dst_hbm, out_hbm,
               src_v, dst_v, rows0, rows1, acc_sh, g0, g1, s0, s1):
    c = lax.axis_index("c")
    s = lax.axis_index("s")
    wid = c * NS + s
    rows = (rows0, rows1)
    gsem = (g0, g1)
    ssem = (s0, s1)

    def _gather(i, b):
        return pltpu.async_copy(sup_hbm.at[src_v.at[i]], rows[b], gsem[b])

    def _scatter(i, b):
        return pltpu.async_copy(rows[b], acc_sh.at[dst_v.at[i]], ssem[b],
                                add=True)

    pltpu.sync_copy(src_hbm.at[wid, 0], src_v)
    pltpu.sync_copy(dst_hbm.at[wid, 0], dst_v)

    def zrow(r, carry):
        for t in range(F // L):
            rows0[r, pl.ds(t * L, L)] = jnp.zeros((L,), jnp.float32)
        return carry

    lax.fori_loop(0, CH, zrow, 0)
    for off, sz in WCHUNKS:
        pltpu.sync_copy(rows0.at[pl.ds(0, sz)],
                        acc_sh.at[pl.ds(s * RPS + off, sz)])

    @pl.when(s == 0)
    def _():
        pltpu.sync_copy(rows0.at[pl.ds(0, TAIL)],
                        acc_sh.at[pl.ds(NS * RPS, TAIL)])

    _gather(0, 0)
    plsc.subcore_barrier()

    def step(i, b, wait_guard, fill_guard):
        o = 1 - b
        pltpu.make_async_copy(sup_hbm.at[src_v.at[i]], rows[b],
                              gsem[b]).wait()
        _scatter(i, b)

        def _retire():
            pltpu.make_async_copy(rows[o], acc_sh.at[dst_v.at[i - 1]],
                                  ssem[o]).wait()

        if wait_guard is None:
            _retire()
        else:
            pl.when(wait_guard)(_retire)

        def _fill():
            _gather(i + 1, o)

        if fill_guard is None:
            _fill()
        else:
            pl.when(fill_guard)(_fill)

    def outer(k, carry):
        step(2 * k, 0, k > 0, None)
        step(2 * k + 1, 1, None, k < OUTER - 1)
        return carry

    for p in range(PASSES):
        if p > 0:
            pltpu.sync_copy(src_hbm.at[wid, p], src_v)
            pltpu.sync_copy(dst_hbm.at[wid, p], dst_v)
            _gather(0, 0)
        lax.fori_loop(0, OUTER, outer, 0)
        pltpu.make_async_copy(rows[1], acc_sh.at[dst_v.at[PCH - 1]],
                              ssem[1]).wait()

    plsc.subcore_barrier()

    pltpu.sync_copy(acc_sh.at[pl.ds(s * RPS, RPS)],
                    out_hbm.at[c, pl.ds(s * RPS, RPS)])

    @pl.when(s == 0)
    def _():
        pltpu.sync_copy(acc_sh.at[pl.ds(NS * RPS, TAIL)],
                        out_hbm.at[c, pl.ds(NS * RPS, TAIL)])


def _spmm(support, src, dst):
    mesh = plsc.VectorSubcoreMesh(core_axis_name="c", subcore_axis_name="s")
    fn = functools.partial(
        pl.kernel,
        mesh=mesh,
        out_type=jax.ShapeDtypeStruct((NC, N_NODES, F), jnp.float32),
        scratch_types=[
            pltpu.VMEM((PCH, CH), jnp.int32),
            pltpu.VMEM((PCH, CH), jnp.int32),
            pltpu.VMEM((CH, F), jnp.float32),
            pltpu.VMEM((CH, F), jnp.float32),
            pltpu.VMEM_SHARED((N_NODES, F), jnp.float32),
            pltpu.SemaphoreType.DMA,
            pltpu.SemaphoreType.DMA,
            pltpu.SemaphoreType.DMA,
            pltpu.SemaphoreType.DMA,
        ],
    )(_spmm_body)
    return fn(support, src, dst)



_BN = 1000
_G = N_NODES // _BN


def _post_body(p_ref, a_ref, b_ref, g_ref, bb_ref, o_ref, y_ref, acc_ref):
    ph = pl.program_id(0)
    i = pl.program_id(1)

    @pl.when(jnp.logical_and(ph == 0, i == 0))
    def _():
        acc_ref[...] = jnp.zeros_like(acc_ref)

    @pl.when(ph == 0)
    def _():
        a_h = _quat_mat(a_ref[...])
        b_h = _quat_mat(b_ref[...])
        zero = jnp.zeros((H, H), jnp.float32)
        w = jnp.concatenate(
            [jnp.concatenate([a_h, b_h], axis=1),
             jnp.concatenate([zero, a_h], axis=1)], axis=0)
        y = jnp.dot(p_ref[0] + p_ref[1], w,
                    preferred_element_type=jnp.float32,
                    precision=lax.Precision.HIGHEST)
        y_ref[pl.ds(i * _BN, _BN), :] = y
        acc_ref[0:1, :] += jnp.sum(y, axis=0, keepdims=True)
        acc_ref[1:2, :] += jnp.sum(y * y, axis=0, keepdims=True)

    @pl.when(ph == 1)
    def _():
        n = jnp.float32(N_NODES)
        mean = acc_ref[0:1, :] / n
        var = acc_ref[1:2, :] / n - mean * mean
        rstd = lax.rsqrt(var + 1e-5)
        y = y_ref[pl.ds(i * _BN, _BN), :]
        o_ref[...] = jnp.tanh((y - mean) * rstd * g_ref[...] + bb_ref[...])


def _post(partials, a, b, gamma, beta):
    return pl.pallas_call(
        _post_body,
        grid=(2, _G),
        in_specs=[
            pl.BlockSpec((NC, _BN, F),
                         lambda p, i: (0, jnp.where(p == 0, i, 0), 0)),
            pl.BlockSpec((F // 8, H), lambda p, i: (0, 0)),
            pl.BlockSpec((F // 8, H), lambda p, i: (0, 0)),
            pl.BlockSpec((1, F), lambda p, i: (0, 0)),
            pl.BlockSpec((1, F), lambda p, i: (0, 0)),
        ],
        out_specs=pl.BlockSpec((_BN, F),
                               lambda p, i: (jnp.where(p == 0, 0, i), 0)),
        out_shape=jax.ShapeDtypeStruct((N_NODES, F), jnp.float32),
        scratch_shapes=[
            pltpu.VMEM((N_NODES, F), jnp.float32),
            pltpu.VMEM((8, F), jnp.float32),
        ],
    )(partials, a, b, gamma.reshape(1, F), beta.reshape(1, F))



def kernel(input, edge_index, A, B, gamma, beta):
    x = input.astype(jnp.float32)
    ei = edge_index.astype(jnp.int32)
    dst = ei[0].reshape(NW, PASSES, PCH, CH)
    src = ei[1].reshape(NW, PASSES, PCH, CH)
    partials = _spmm(x, src, dst)
    return _post(partials, A, B, gamma, beta)

# --- scband reference (transcript-rebuilt; emitter-appended) ---
"""Pipeline reference for scband-dqgnn-layer-31112743092862 (READ-ONLY COPY).

The authoritative reference and input builder live on the scoring server;
editing this copy changes nothing except your own understanding.
"""

import jax, jax.numpy as jnp
import numpy as np

N_NODES = 10000
N_EDGES = 320000
IN_F = 128
OUT_F = 128


def make_quaternion_mul(kernel):
    r, i, j, k = jnp.split(kernel, 4, axis=1)
    r2 = jnp.concatenate([r, -i, -j, -k], axis=0)
    i2 = jnp.concatenate([i, r, -k, j], axis=0)
    j2 = jnp.concatenate([j, k, r, -i], axis=0)
    k2 = jnp.concatenate([k, -j, i, r], axis=0)
    return jnp.concatenate([r2, i2, j2, k2], axis=1)


def setup_inputs(seed: int = 0) -> dict:
    key = jax.random.key(seed)
    k1, k2, k3, k4 = jax.random.split(key, 4)
    x = jax.random.normal(k1, (N_NODES, IN_F), dtype=jnp.float32)
    edge_index = jax.random.randint(k2, (2, N_EDGES), 0, N_NODES, dtype=jnp.int64) if jax.config.read('jax_enable_x64') else jax.random.randint(k2, (2, N_EDGES), 0, N_NODES, dtype=jnp.int32)
    stdv = float(np.sqrt(6.0 / (IN_F // 8 + OUT_F // 2)))
    A = jax.random.uniform(k3, (IN_F // 8, OUT_F // 2), dtype=jnp.float32, minval=-stdv, maxval=stdv)
    B = jax.random.uniform(k4, (IN_F // 8, OUT_F // 2), dtype=jnp.float32, minval=-stdv, maxval=stdv)
    gamma = jnp.ones((OUT_F,), dtype=jnp.float32)
    beta = jnp.zeros((OUT_F,), dtype=jnp.float32)
    return {"input": x, "edge_index": edge_index, "A": A, "B": B, "gamma": gamma, "beta": beta}


def reference(input, edge_index, A, B, gamma, beta):
    # dual_quaternion_mul: (A, B) * (C, D) = (A*C, A*D + B*C)
    C, D = jnp.split(input, 2, axis=1)
    A_h = make_quaternion_mul(A)
    B_h = make_quaternion_mul(B)
    AC = C @ A_h
    AD = D @ A_h
    BC = C @ B_h
    support = jnp.concatenate([AC, AD + BC], axis=1)
    # spmm(adj, support): adj built from edge_index with unit weights;
    # edge_index[0] = dst rows, edge_index[1] = src cols
    dst = edge_index[0]
    src = edge_index[1]
    gathered = jnp.take(support, src, axis=0)
    output = jax.ops.segment_sum(gathered, dst, num_segments=input.shape[0])
    # BatchNorm1d (training mode, biased variance)
    mean = jnp.mean(output, axis=0)
    var = jnp.var(output, axis=0)
    output = (output - mean) / jnp.sqrt(var + 1e-5) * gamma + beta
    return jnp.tanh(output)

if __name__ == "__main__":
    import jax
    _d = setup_inputs()
    print(jax.jit(kernel)(*tuple(_d.values())))

</pallas_src>

<mosaic_0001>
#map = affine_map<(d0, d1) -> (0, 0)>
#map1 = affine_map<(d0, d1) -> (0, 0, 0, 0)>
#map2 = affine_map<(d0, d1) -> (0, 0, 0)>
module attributes {stable_mosaic.version = 14 : i64} {
  func.func @_spmm_body(%arg0: i32, %arg1: i32, %arg2: memref<10000x128xf32, #tpu.memory_space<hbm>>, %arg3: memref<32x2x50x100xi32, #tpu.memory_space<hbm>>, %arg4: memref<32x2x50x100xi32, #tpu.memory_space<hbm>>, %arg5: memref<2x10000x128xf32, #tpu.memory_space<hbm>>, %arg6: memref<50x100xi32, #tpu.memory_space<vmem>>, %arg7: memref<50x100xi32, #tpu.memory_space<vmem>>, %arg8: memref<100x128xf32, #tpu.memory_space<vmem>>, %arg9: memref<100x128xf32, #tpu.memory_space<vmem>>, %arg10: memref<10000x128xf32, #tpu.memory_space<vmem_shared>>, %arg11: memref<!tpu.dma_semaphore, #tpu.memory_space<semaphore_mem>>, %arg12: memref<!tpu.dma_semaphore, #tpu.memory_space<semaphore_mem>>, %arg13: memref<!tpu.dma_semaphore, #tpu.memory_space<semaphore_mem>>, %arg14: memref<!tpu.dma_semaphore, #tpu.memory_space<semaphore_mem>>) attributes {dimension_semantics = [#tpu.dimension_semantics<core_parallel>, #tpu.dimension_semantics<subcore_parallel>], iteration_bounds = array<i64: 2, 16>, scalar_prefetch = 0 : i64, scratch_operands = 9 : i64, tpu.core_type = #tpu.core_type<sc_vector_subcore>, window_params = [{transform_indices = #map}, {transform_indices = #map1}, {transform_indices = #map1}, {transform_indices = #map2}]} {
    %mul3A = arith.constant 16 : i32
    %mul3A_0 = arith.muli %arg0, %mul3A : i32
    %add3A = arith.addi %mul3A_0, %arg1 : i32
    %run_scoped3A = arith.constant 0 : i32
    "tpu.region"() ({
      %run_scoped3A_91 = tpu.sem_alloc : memref<!tpu.dma_semaphore, #tpu.memory_space<semaphore_mem>>
      %dma_start3A_92 = arith.constant 0 : i32
      %dma_start3A_93 = arith.constant 0 : i32
      %dma_start3A_94 = tpu.memref_slice %arg3[%add3A, %run_scoped3A, %dma_start3A_92, %dma_start3A_93] : memref<32x2x50x100xi32, #tpu.memory_space<hbm>> -> memref<1x1x50x100xi32, #tpu.memory_space<hbm>>
      %dma_start3A_95 = tpu.memref_squeeze %dma_start3A_94 : memref<1x1x50x100xi32, #tpu.memory_space<hbm>> -> memref<50x100xi32, #tpu.memory_space<hbm>>
      %dma_start3A_96 = arith.constant 0 : i32
      %dma_start3A_97 = arith.constant 0 : i32
      %dma_start3A_98 = tpu.memref_slice %arg3[%add3A, %run_scoped3A, %dma_start3A_96, %dma_start3A_97] : memref<32x2x50x100xi32, #tpu.memory_space<hbm>> -> memref<1x1x50x100xi32, #tpu.memory_space<hbm>>
      %dma_start3A_99 = tpu.memref_squeeze %dma_start3A_98 : memref<1x1x50x100xi32, #tpu.memory_space<hbm>> -> memref<50x100xi32, #tpu.memory_space<hbm>>
      tpu.enqueue_dma source(%dma_start3A_99 : memref<50x100xi32, #tpu.memory_space<hbm>>) target(%arg6 : memref<50x100xi32, #tpu.memory_space<vmem>>) target_semaphore(%run_scoped3A_91 : memref<!tpu.dma_semaphore, #tpu.memory_space<semaphore_mem>>)
      %dma_wait3A_100 = arith.constant 0 : i32
      %dma_wait3A_101 = arith.constant 0 : i32
      %dma_wait3A_102 = tpu.memref_slice %arg3[%add3A, %run_scoped3A, %dma_wait3A_100, %dma_wait3A_101] : memref<32x2x50x100xi32, #tpu.memory_space<hbm>> -> memref<1x1x50x100xi32, #tpu.memory_space<hbm>>
      %dma_wait3A_103 = tpu.memref_squeeze %dma_wait3A_102 : memref<1x1x50x100xi32, #tpu.memory_space<hbm>> -> memref<50x100xi32, #tpu.memory_space<hbm>>
      %dma_wait3A_104 = arith.constant 0 : i32
      %dma_wait3A_105 = arith.constant 0 : i32
      %dma_wait3A_106 = tpu.memref_slice %arg3[%add3A, %run_scoped3A, %dma_wait3A_104, %dma_wait3A_105] : memref<32x2x50x100xi32, #tpu.memory_space<hbm>> -> memref<1x1x50x100xi32, #tpu.memory_space<hbm>>
      %dma_wait3A_107 = tpu.memref_squeeze %dma_wait3A_106 : memref<1x1x50x100xi32, #tpu.memory_space<hbm>> -> memref<50x100xi32, #tpu.memory_space<hbm>>
      tpu.wait_dma2 semaphore(%run_scoped3A_91 : memref<!tpu.dma_semaphore, #tpu.memory_space<semaphore_mem>>) src(%dma_wait3A_107 : memref<50x100xi32, #tpu.memory_space<hbm>>) dst(%arg6 : memref<50x100xi32, #tpu.memory_space<vmem>>)
      tpu.yield
    }) : () -> ()
    %run_scoped3A_1 = arith.constant 0 : i32
    "tpu.region"() ({
      %run_scoped3A_91 = tpu.sem_alloc : memref<!tpu.dma_semaphore, #tpu.memory_space<semaphore_mem>>
      %dma_start3A_92 = arith.constant 0 : i32
      %dma_start3A_93 = arith.constant 0 : i32
      %dma_start3A_94 = tpu.memref_slice %arg4[%add3A, %run_scoped3A_1, %dma_start3A_92, %dma_start3A_93] : memref<32x2x50x100xi32, #tpu.memory_space<hbm>> -> memref<1x1x50x100xi32, #tpu.memory_space<hbm>>
      %dma_start3A_95 = tpu.memref_squeeze %dma_start3A_94 : memref<1x1x50x100xi32, #tpu.memory_space<hbm>> -> memref<50x100xi32, #tpu.memory_space<hbm>>
      %dma_start3A_96 = arith.constant 0 : i32
      %dma_start3A_97 = arith.constant 0 : i32
      %dma_start3A_98 = tpu.memref_slice %arg4[%add3A, %run_scoped3A_1, %dma_start3A_96, %dma_start3A_97] : memref<32x2x50x100xi32, #tpu.memory_space<hbm>> -> memref<1x1x50x100xi32, #tpu.memory_space<hbm>>
      %dma_start3A_99 = tpu.memref_squeeze %dma_start3A_98 : memref<1x1x50x100xi32, #tpu.memory_space<hbm>> -> memref<50x100xi32, #tpu.memory_space<hbm>>
      tpu.enqueue_dma source(%dma_start3A_99 : memref<50x100xi32, #tpu.memory_space<hbm>>) target(%arg7 : memref<50x100xi32, #tpu.memory_space<vmem>>) target_semaphore(%run_scoped3A_91 : memref<!tpu.dma_semaphore, #tpu.memory_space<semaphore_mem>>)
      %dma_wait3A_100 = arith.constant 0 : i32
      %dma_wait3A_101 = arith.constant 0 : i32
      %dma_wait3A_102 = tpu.memref_slice %arg4[%add3A, %run_scoped3A_1, %dma_wait3A_100, %dma_wait3A_101] : memref<32x2x50x100xi32, #tpu.memory_space<hbm>> -> memref<1x1x50x100xi32, #tpu.memory_space<hbm>>
      %dma_wait3A_103 = tpu.memref_squeeze %dma_wait3A_102 : memref<1x1x50x100xi32, #tpu.memory_space<hbm>> -> memref<50x100xi32, #tpu.memory_space<hbm>>
      %dma_wait3A_104 = arith.constant 0 : i32
      %dma_wait3A_105 = arith.constant 0 : i32
      %dma_wait3A_106 = tpu.memref_slice %arg4[%add3A, %run_scoped3A_1, %dma_wait3A_104, %dma_wait3A_105] : memref<32x2x50x100xi32, #tpu.memory_space<hbm>> -> memref<1x1x50x100xi32, #tpu.memory_space<hbm>>
      %dma_wait3A_107 = tpu.memref_squeeze %dma_wait3A_106 : memref<1x1x50x100xi32, #tpu.memory_space<hbm>> -> memref<50x100xi32, #tpu.memory_space<hbm>>
      tpu.wait_dma2 semaphore(%run_scoped3A_91 : memref<!tpu.dma_semaphore, #tpu.memory_space<semaphore_mem>>) src(%dma_wait3A_107 : memref<50x100xi32, #tpu.memory_space<hbm>>) dst(%arg7 : memref<50x100xi32, #tpu.memory_space<vmem>>)
      tpu.yield
    }) : () -> ()
    %scan3A = arith.constant 0 : i32
    %scan3A_2 = arith.constant 0 : i32
    %scan3A_3 = arith.constant 100 : i32
    %scan3A_4 = arith.addi %scan3A_2, %scan3A_3 : i32
    %scan3A_5 = arith.constant 1 : i32
    scf.for %scan3A_91 = %scan3A_2 to %scan3A_4 step %scan3A_5  : i32 {
      %broadcast_in_dim3A = arith.constant 0.000000e+00 : f32
      %broadcast_in_dim3A_92 = vector.broadcast %broadcast_in_dim3A : f32 to vector<16xf32>
      %swap3A = arith.index_cast %scan3A_91 : i32 to index
      %swap3A_93 = arith.constant 0 : index
      %swap3A_94 = tpu.vector_load %arg8[%swap3A, %swap3A_93] {strides = array<i32>} : memref<100x128xf32, #tpu.memory_space<vmem>>, vector<1x16xf32>,
      %swap3A_95 = vector.shape_cast %swap3A_94 : vector<1x16xf32> to vector<16xf32>
      %swap3A_96 = vector.shape_cast %broadcast_in_dim3A_92 : vector<16xf32> to vector<1x16xf32>
      tpu.vector_store %arg8[%swap3A, %swap3A_93], %swap3A_96 {strides = array<i32>} : memref<100x128xf32, #tpu.memory_space<vmem>>, vector<1x16xf32>,
      %broadcast_in_dim3A_97 = arith.constant 0.000000e+00 : f32
      %broadcast_in_dim3A_98 = vector.broadcast %broadcast_in_dim3A_97 : f32 to vector<16xf32>
      %swap3A_99 = arith.index_cast %scan3A_91 : i32 to index
      %swap3A_100 = arith.constant 16 : index
      %swap3A_101 = tpu.vector_load %arg8[%swap3A_99, %swap3A_100] {strides = array<i32>} : memref<100x128xf32, #tpu.memory_space<vmem>>, vector<1x16xf32>,
      %swap3A_102 = vector.shape_cast %swap3A_101 : vector<1x16xf32> to vector<16xf32>
      %swap3A_103 = vector.shape_cast %broadcast_in_dim3A_98 : vector<16xf32> to vector<1x16xf32>
      tpu.vector_store %arg8[%swap3A_99, %swap3A_100], %swap3A_103 {strides = array<i32>} : memref<100x128xf32, #tpu.memory_space<vmem>>, vector<1x16xf32>,
      %broadcast_in_dim3A_104 = arith.constant 0.000000e+00 : f32
      %broadcast_in_dim3A_105 = vector.broadcast %broadcast_in_dim3A_104 : f32 to vector<16xf32>
      %swap3A_106 = arith.index_cast %scan3A_91 : i32 to index
      %swap3A_107 = arith.constant 32 : index
      %swap3A_108 = tpu.vector_load %arg8[%swap3A_106, %swap3A_107] {strides = array<i32>} : memref<100x128xf32, #tpu.memory_space<vmem>>, vector<1x16xf32>,
      %swap3A_109 = vector.shape_cast %swap3A_108 : vector<1x16xf32> to vector<16xf32>
      %swap3A_110 = vector.shape_cast %broadcast_in_dim3A_105 : vector<16xf32> to vector<1x16xf32>
      tpu.vector_store %arg8[%swap3A_106, %swap3A_107], %swap3A_110 {strides = array<i32>} : memref<100x128xf32, #tpu.memory_space<vmem>>, vector<1x16xf32>,
      %broadcast_in_dim3A_111 = arith.constant 0.000000e+00 : f32
      %broadcast_in_dim3A_112 = vector.broadcast %broadcast_in_dim3A_111 : f32 to vector<16xf32>
      %swap3A_113 = arith.index_cast %scan3A_91 : i32 to index
      %swap3A_114 = arith.constant 48 : index
      %swap3A_115 = tpu.vector_load %arg8[%swap3A_113, %swap3A_114] {strides = array<i32>} : memref<100x128xf32, #tpu.memory_space<vmem>>, vector<1x16xf32>,
      %swap3A_116 = vector.shape_cast %swap3A_115 : vector<1x16xf32> to vector<16xf32>
      %swap3A_117 = vector.shape_cast %broadcast_in_dim3A_112 : vector<16xf32> to vector<1x16xf32>
      tpu.vector_store %arg8[%swap3A_113, %swap3A_114], %swap3A_117 {strides = array<i32>} : memref<100x128xf32, #tpu.memory_space<vmem>>, vector<1x16xf32>,
      %broadcast_in_dim3A_118 = arith.constant 0.000000e+00 : f32
      %broadcast_in_dim3A_119 = vector.broadcast %broadcast_in_dim3A_118 : f32 to vector<16xf32>
      %swap3A_120 = arith.index_cast %scan3A_91 : i32 to index
      %swap3A_121 = arith.constant 64 : index
      %swap3A_122 = tpu.vector_load %arg8[%swap3A_120, %swap3A_121] {strides = array<i32>} : memref<100x128xf32, #tpu.memory_space<vmem>>, vector<1x16xf32>,
      %swap3A_123 = vector.shape_cast %swap3A_122 : vector<1x16xf32> to vector<16xf32>
      %swap3A_124 = vector.shape_cast %broadcast_in_dim3A_119 : vector<16xf32> to vector<1x16xf32>
      tpu.vector_store %arg8[%swap3A_120, %swap3A_121], %swap3A_124 {strides = array<i32>} : memref<100x128xf32, #tpu.memory_space<vmem>>, vector<1x16xf32>,
      %broadcast_in_dim3A_125 = arith.constant 0.000000e+00 : f32
      %broadcast_in_dim3A_126 = vector.broadcast %broadcast_in_dim3A_125 : f32 to vector<16xf32>
      %swap3A_127 = arith.index_cast %scan3A_91 : i32 to index
      %swap3A_128 = arith.constant 80 : index
      %swap3A_129 = tpu.vector_load %arg8[%swap3A_127, %swap3A_128] {strides = array<i32>} : memref<100x128xf32, #tpu.memory_space<vmem>>, vector<1x16xf32>,
      %swap3A_130 = vector.shape_cast %swap3A_129 : vector<1x16xf32> to vector<16xf32>
      %swap3A_131 = vector.shape_cast %broadcast_in_dim3A_126 : vector<16xf32> to vector<1x16xf32>
      tpu.vector_store %arg8[%swap3A_127, %swap3A_128], %swap3A_131 {strides = array<i32>} : memref<100x128xf32, #tpu.memory_space<vmem>>, vector<1x16xf32>,
      %broadcast_in_dim3A_132 = arith.constant 0.000000e+00 : f32
      %broadcast_in_dim3A_133 = vector.broadcast %broadcast_in_dim3A_132 : f32 to vector<16xf32>
      %swap3A_134 = arith.index_cast %scan3A_91 : i32 to index
      %swap3A_135 = arith.constant 96 : index
      %swap3A_136 = tpu.vector_load %arg8[%swap3A_134, %swap3A_135] {strides = array<i32>} : memref<100x128xf32, #tpu.memory_space<vmem>>, vector<1x16xf32>,
      %swap3A_137 = vector.shape_cast %swap3A_136 : vector<1x16xf32> to vector<16xf32>
      %swap3A_138 = vector.shape_cast %broadcast_in_dim3A_133 : vector<16xf32> to vector<1x16xf32>
      tpu.vector_store %arg8[%swap3A_134, %swap3A_135], %swap3A_138 {strides = array<i32>} : memref<100x128xf32, #tpu.memory_space<vmem>>, vector<1x16xf32>,
      %broadcast_in_dim3A_139 = arith.constant 0.000000e+00 : f32
      %broadcast_in_dim3A_140 = vector.broadcast %broadcast_in_dim3A_139 : f32 to vector<16xf32>
      %swap3A_141 = arith.index_cast %scan3A_91 : i32 to index
      %swap3A_142 = arith.constant 112 : index
      %swap3A_143 = tpu.vector_load %arg8[%swap3A_141, %swap3A_142] {strides = array<i32>} : memref<100x128xf32, #tpu.memory_space<vmem>>, vector<1x16xf32>,
      %swap3A_144 = vector.shape_cast %swap3A_143 : vector<1x16xf32> to vector<16xf32>
      %swap3A_145 = vector.shape_cast %broadcast_in_dim3A_140 : vector<16xf32> to vector<1x16xf32>
      tpu.vector_store %arg8[%swap3A_141, %swap3A_142], %swap3A_145 {strides = array<i32>} : memref<100x128xf32, #tpu.memory_space<vmem>>, vector<1x16xf32>,
    }
    %scan3A_6 = arith.constant 100 : i32
    %mul3A_7 = arith.constant 624 : i32
    %mul3A_8 = arith.muli %arg1, %mul3A_7 : i32
    %add3A_9 = arith.constant 0 : i32
    %add3A_10 = arith.addi %mul3A_8, %add3A_9 : i32
    "tpu.region"() ({
      %run_scoped3A_91 = tpu.sem_alloc : memref<!tpu.dma_semaphore, #tpu.memory_space<semaphore_mem>>
      %dma_start3A_92 = arith.constant 0 : i32
      %dma_start3A_93 = arith.constant 0 : i32
      %dma_start3A_94 = tpu.memref_slice %arg8[%dma_start3A_92, %dma_start3A_93] : memref<100x128xf32, #tpu.memory_space<vmem>> -> memref<80x128xf32, #tpu.memory_space<vmem>>
      %dma_start3A_95 = arith.constant 0 : i32
      %dma_start3A_96 = tpu.memref_slice %arg10[%add3A_10, %dma_start3A_95] : memref<10000x128xf32, #tpu.memory_space<vmem_shared>> -> memref<80x128xf32, #tpu.memory_space<vmem_shared>>
      %dma_start3A_97 = arith.constant 0 : i32
      %dma_start3A_98 = tpu.memref_slice %arg10[%add3A_10, %dma_start3A_97] : memref<10000x128xf32, #tpu.memory_space<vmem_shared>> -> memref<80x128xf32, #tpu.memory_space<vmem_shared>>
      %dma_start3A_99 = arith.constant 0 : i32
      %dma_start3A_100 = arith.constant 0 : i32
      %dma_start3A_101 = tpu.memref_slice %arg8[%dma_start3A_99, %dma_start3A_100] : memref<100x128xf32, #tpu.memory_space<vmem>> -> memref<80x128xf32, #tpu.memory_space<vmem>>
      tpu.enqueue_dma source(%dma_start3A_101 : memref<80x128xf32, #tpu.memory_space<vmem>>) target(%dma_start3A_98 : memref<80x128xf32, #tpu.memory_space<vmem_shared>>) target_semaphore(%run_scoped3A_91 : memref<!tpu.dma_semaphore, #tpu.memory_space<semaphore_mem>>)
      %dma_wait3A_102 = arith.constant 0 : i32
      %dma_wait3A_103 = arith.constant 0 : i32
      %dma_wait3A_104 = tpu.memref_slice %arg8[%dma_wait3A_102, %dma_wait3A_103] : memref<100x128xf32, #tpu.memory_space<vmem>> -> memref<80x128xf32, #tpu.memory_space<vmem>>
      %dma_wait3A_105 = arith.constant 0 : i32
      %dma_wait3A_106 = tpu.memref_slice %arg10[%add3A_10, %dma_wait3A_105] : memref<10000x128xf32, #tpu.memory_space<vmem_shared>> -> memref<80x128xf32, #tpu.memory_space<vmem_shared>>
      %dma_wait3A_107 = arith.constant 0 : i32
      %dma_wait3A_108 = tpu.memref_slice %arg10[%add3A_10, %dma_wait3A_107] : memref<10000x128xf32, #tpu.memory_space<vmem_shared>> -> memref<80x128xf32, #tpu.memory_space<vmem_shared>>
      %dma_wait3A_109 = arith.constant 0 : i32
      %dma_wait3A_110 = arith.constant 0 : i32
      %dma_wait3A_111 = tpu.memref_slice %arg8[%dma_wait3A_109, %dma_wait3A_110] : memref<100x128xf32, #tpu.memory_space<vmem>> -> memref<80x128xf32, #tpu.memory_space<vmem>>
      tpu.wait_dma2 semaphore(%run_scoped3A_91 : memref<!tpu.dma_semaphore, #tpu.memory_space<semaphore_mem>>) src(%dma_wait3A_111 : memref<80x128xf32, #tpu.memory_space<vmem>>) dst(%dma_wait3A_108 : memref<80x128xf32, #tpu.memory_space<vmem_shared>>)
      tpu.yield
    }) : () -> ()
    %mul3A_11 = arith.constant 624 : i32
    %mul3A_12 = arith.muli %arg1, %mul3A_11 : i32
    %add3A_13 = arith.constant 80 : i32
    %add3A_14 = arith.addi %mul3A_12, %add3A_13 : i32
    "tpu.region"() ({
      %run_scoped3A_91 = tpu.sem_alloc : memref<!tpu.dma_semaphore, #tpu.memory_space<semaphore_mem>>
      %dma_start3A_92 = arith.constant 0 : i32
      %dma_start3A_93 = arith.constant 0 : i32
      %dma_start3A_94 = tpu.memref_slice %arg8[%dma_start3A_92, %dma_start3A_93] : memref<100x128xf32, #tpu.memory_space<vmem>> -> memref<80x128xf32, #tpu.memory_space<vmem>>
      %dma_start3A_95 = arith.constant 0 : i32
      %dma_start3A_96 = tpu.memref_slice %arg10[%add3A_14, %dma_start3A_95] : memref<10000x128xf32, #tpu.memory_space<vmem_shared>> -> memref<80x128xf32, #tpu.memory_space<vmem_shared>>
      %dma_start3A_97 = arith.constant 0 : i32
      %dma_start3A_98 = tpu.memref_slice %arg10[%add3A_14, %dma_start3A_97] : memref<10000x128xf32, #tpu.memory_space<vmem_shared>> -> memref<80x128xf32, #tpu.memory_space<vmem_shared>>
      %dma_start3A_99 = arith.constant 0 : i32
      %dma_start3A_100 = arith.constant 0 : i32
      %dma_start3A_101 = tpu.memref_slice %arg8[%dma_start3A_99, %dma_start3A_100] : memref<100x128xf32, #tpu.memory_space<vmem>> -> memref<80x128xf32, #tpu.memory_space<vmem>>
      tpu.enqueue_dma source(%dma_start3A_101 : memref<80x128xf32, #tpu.memory_space<vmem>>) target(%dma_start3A_98 : memref<80x128xf32, #tpu.memory_space<vmem_shared>>) target_semaphore(%run_scoped3A_91 : memref<!tpu.dma_semaphore, #tpu.memory_space<semaphore_mem>>)
      %dma_wait3A_102 = arith.constant 0 : i32
      %dma_wait3A_103 = arith.constant 0 : i32
      %dma_wait3A_104 = tpu.memref_slice %arg8[%dma_wait3A_102, %dma_wait3A_103] : memref<100x128xf32, #tpu.memory_space<vmem>> -> memref<80x128xf32, #tpu.memory_space<vmem>>
      %dma_wait3A_105 = arith.constant 0 : i32
      %dma_wait3A_106 = tpu.memref_slice %arg10[%add3A_14, %dma_wait3A_105] : memref<10000x128xf32, #tpu.memory_space<vmem_shared>> -> memref<80x128xf32, #tpu.memory_space<vmem_shared>>
      %dma_wait3A_107 = arith.constant 0 : i32
      %dma_wait3A_108 = tpu.memref_slice %arg10[%add3A_14, %dma_wait3A_107] : memref<10000x128xf32, #tpu.memory_space<vmem_shared>> -> memref<80x128xf32, #tpu.memory_space<vmem_shared>>
      %dma_wait3A_109 = arith.constant 0 : i32
      %dma_wait3A_110 = arith.constant 0 : i32
      %dma_wait3A_111 = tpu.memref_slice %arg8[%dma_wait3A_109, %dma_wait3A_110] : memref<100x128xf32, #tpu.memory_space<vmem>> -> memref<80x128xf32, #tpu.memory_space<vmem>>
      tpu.wait_dma2 semaphore(%run_scoped3A_91 : memref<!tpu.dma_semaphore, #tpu.memory_space<semaphore_mem>>) src(%dma_wait3A_111 : memref<80x128xf32, #tpu.memory_space<vmem>>) dst(%dma_wait3A_108 : memref<80x128xf32, #tpu.memory_space<vmem_shared>>)
      tpu.yield
    }) : () -> ()
    %mul3A_15 = arith.constant 624 : i32
    %mul3A_16 = arith.muli %arg1, %mul3A_15 : i32
    %add3A_17 = arith.constant 160 : i32
    %add3A_18 = arith.addi %mul3A_16, %add3A_17 : i32
    "tpu.region"() ({
      %run_scoped3A_91 = tpu.sem_alloc : memref<!tpu.dma_semaphore, #tpu.memory_space<semaphore_mem>>
      %dma_start3A_92 = arith.constant 0 : i32
      %dma_start3A_93 = arith.constant 0 : i32
      %dma_start3A_94 = tpu.memref_slice %arg8[%dma_start3A_92, %dma_start3A_93] : memref<100x128xf32, #tpu.memory_space<vmem>> -> memref<80x128xf32, #tpu.memory_space<vmem>>
      %dma_start3A_95 = arith.constant 0 : i32
      %dma_start3A_96 = tpu.memref_slice %arg10[%add3A_18, %dma_start3A_95] : memref<10000x128xf32, #tpu.memory_space<vmem_shared>> -> memref<80x128xf32, #tpu.memory_space<vmem_shared>>
      %dma_start3A_97 = arith.constant 0 : i32
      %dma_start3A_98 = tpu.memref_slice %arg10[%add3A_18, %dma_start3A_97] : memref<10000x128xf32, #tpu.memory_space<vmem_shared>> -> memref<80x128xf32, #tpu.memory_space<vmem_shared>>
      %dma_start3A_99 = arith.constant 0 : i32
      %dma_start3A_100 = arith.constant 0 : i32
      %dma_start3A_101 = tpu.memref_slice %arg8[%dma_start3A_99, %dma_start3A_100] : memref<100x128xf32, #tpu.memory_space<vmem>> -> memref<80x128xf32, #tpu.memory_space<vmem>>
      tpu.enqueue_dma source(%dma_start3A_101 : memref<80x128xf32, #tpu.memory_space<vmem>>) target(%dma_start3A_98 : memref<80x128xf32, #tpu.memory_space<vmem_shared>>) target_semaphore(%run_scoped3A_91 : memref<!tpu.dma_semaphore, #tpu.memory_space<semaphore_mem>>)
      %dma_wait3A_102 = arith.constant 0 : i32
      %dma_wait3A_103 = arith.constant 0 : i32
      %dma_wait3A_104 = tpu.memref_slice %arg8[%dma_wait3A_102, %dma_wait3A_103] : memref<100x128xf32, #tpu.memory_space<vmem>> -> memref<80x128xf32, #tpu.memory_space<vmem>>
      %dma_wait3A_105 = arith.constant 0 : i32
      %dma_wait3A_106 = tpu.memref_slice %arg10[%add3A_18, %dma_wait3A_105] : memref<10000x128xf32, #tpu.memory_space<vmem_shared>> -> memref<80x128xf32, #tpu.memory_space<vmem_shared>>
      %dma_wait3A_107 = arith.constant 0 : i32
      %dma_wait3A_108 = tpu.memref_slice %arg10[%add3A_18, %dma_wait3A_107] : memref<10000x128xf32, #tpu.memory_space<vmem_shared>> -> memref<80x128xf32, #tpu.memory_space<vmem_shared>>
      %dma_wait3A_109 = arith.constant 0 : i32
      %dma_wait3A_110 = arith.constant 0 : i32
      %dma_wait3A_111 = tpu.memref_slice %arg8[%dma_wait3A_109, %dma_wait3A_110] : memref<100x128xf32, #tpu.memory_space<vmem>> -> memref<80x128xf32, #tpu.memory_space<vmem>>
      tpu.wait_dma2 semaphore(%run_scoped3A_91 : memref<!tpu.dma_semaphore, #tpu.memory_space<semaphore_mem>>) src(%dma_wait3A_111 : memref<80x128xf32, #tpu.memory_space<vmem>>) dst(%dma_wait3A_108 : memref<80x128xf32, #tpu.memory_space<vmem_shared>>)
      tpu.yield
    }) : () -> ()
    %mul3A_19 = arith.constant 624 : i32
    %mul3A_20 = arith.muli %arg1, %mul3A_19 : i32
    %add3A_21 = arith.constant 240 : i32
    %add3A_22 = arith.addi %mul3A_20, %add3A_21 : i32
    "tpu.region"() ({
      %run_scoped3A_91 = tpu.sem_alloc : memref<!tpu.dma_semaphore, #tpu.memory_space<semaphore_mem>>
      %dma_start3A_92 = arith.constant 0 : i32
      %dma_start3A_93 = arith.constant 0 : i32
      %dma_start3A_94 = tpu.memref_slice %arg8[%dma_start3A_92, %dma_start3A_93] : memref<100x128xf32, #tpu.memory_space<vmem>> -> memref<80x128xf32, #tpu.memory_space<vmem>>
      %dma_start3A_95 = arith.constant 0 : i32
      %dma_start3A_96 = tpu.memref_slice %arg10[%add3A_22, %dma_start3A_95] : memref<10000x128xf32, #tpu.memory_space<vmem_shared>> -> memref<80x128xf32, #tpu.memory_space<vmem_shared>>
      %dma_start3A_97 = arith.constant 0 : i32
      %dma_start3A_98 = tpu.memref_slice %arg10[%add3A_22, %dma_start3A_97] : memref<10000x128xf32, #tpu.memory_space<vmem_shared>> -> memref<80x128xf32, #tpu.memory_space<vmem_shared>>
      %dma_start3A_99 = arith.constant 0 : i32
      %dma_start3A_100 = arith.constant 0 : i32
      %dma_start3A_101 = tpu.memref_slice %arg8[%dma_start3A_99, %dma_start3A_100] : memref<100x128xf32, #tpu.memory_space<vmem>> -> memref<80x128xf32, #tpu.memory_space<vmem>>
      tpu.enqueue_dma source(%dma_start3A_101 : memref<80x128xf32, #tpu.memory_space<vmem>>) target(%dma_start3A_98 : memref<80x128xf32, #tpu.memory_space<vmem_shared>>) target_semaphore(%run_scoped3A_91 : memref<!tpu.dma_semaphore, #tpu.memory_space<semaphore_mem>>)
      %dma_wait3A_102 = arith.constant 0 : i32
      %dma_wait3A_103 = arith.constant 0 : i32
      %dma_wait3A_104 = tpu.memref_slice %arg8[%dma_wait3A_102, %dma_wait3A_103] : memref<100x128xf32, #tpu.memory_space<vmem>> -> memref<80x128xf32, #tpu.memory_space<vmem>>
      %dma_wait3A_105 = arith.constant 0 : i32
      %dma_wait3A_106 = tpu.memref_slice %arg10[%add3A_22, %dma_wait3A_105] : memref<10000x128xf32, #tpu.memory_space<vmem_shared>> -> memref<80x128xf32, #tpu.memory_space<vmem_shared>>
      %dma_wait3A_107 = arith.constant 0 : i32
      %dma_wait3A_108 = tpu.memref_slice %arg10[%add3A_22, %dma_wait3A_107] : memref<10000x128xf32, #tpu.memory_space<vmem_shared>> -> memref<80x128xf32, #tpu.memory_space<vmem_shared>>
      %dma_wait3A_109 = arith.constant 0 : i32
      %dma_wait3A_110 = arith.constant 0 : i32
      %dma_wait3A_111 = tpu.memref_slice %arg8[%dma_wait3A_109, %dma_wait3A_110] : memref<100x128xf32, #tpu.memory_space<vmem>> -> memref<80x128xf32, #tpu.memory_space<vmem>>
      tpu.wait_dma2 semaphore(%run_scoped3A_91 : memref<!tpu.dma_semaphore, #tpu.memory_space<semaphore_mem>>) src(%dma_wait3A_111 : memref<80x128xf32, #tpu.memory_space<vmem>>) dst(%dma_wait3A_108 : memref<80x128xf32, #tpu.memory_space<vmem_shared>>)
      tpu.yield
    }) : () -> ()
    %mul3A_23 = arith.constant 624 : i32
    %mul3A_24 = arith.muli %arg1, %mul3A_23 : i32
    %add3A_25 = arith.constant 320 : i32
    %add3A_26 = arith.addi %mul3A_24, %add3A_25 : i32
    "tpu.region"() ({
      %run_scoped3A_91 = tpu.sem_alloc : memref<!tpu.dma_semaphore, #tpu.memory_space<semaphore_mem>>
      %dma_start3A_92 = arith.constant 0 : i32
      %dma_start3A_93 = arith.constant 0 : i32
      %dma_start3A_94 = tpu.memref_slice %arg8[%dma_start3A_92, %dma_start3A_93] : memref<100x128xf32, #tpu.memory_space<vmem>> -> memref<80x128xf32, #tpu.memory_space<vmem>>
      %dma_start3A_95 = arith.constant 0 : i32
      %dma_start3A_96 = tpu.memref_slice %arg10[%add3A_26, %dma_start3A_95] : memref<10000x128xf32, #tpu.memory_space<vmem_shared>> -> memref<80x128xf32, #tpu.memory_space<vmem_shared>>
      %dma_start3A_97 = arith.constant 0 : i32
      %dma_start3A_98 = tpu.memref_slice %arg10[%add3A_26, %dma_start3A_97] : memref<10000x128xf32, #tpu.memory_space<vmem_shared>> -> memref<80x128xf32, #tpu.memory_space<vmem_shared>>
      %dma_start3A_99 = arith.constant 0 : i32
      %dma_start3A_100 = arith.constant 0 : i32
      %dma_start3A_101 = tpu.memref_slice %arg8[%dma_start3A_99, %dma_start3A_100] : memref<100x128xf32, #tpu.memory_space<vmem>> -> memref<80x128xf32, #tpu.memory_space<vmem>>
      tpu.enqueue_dma source(%dma_start3A_101 : memref<80x128xf32, #tpu.memory_space<vmem>>) target(%dma_start3A_98 : memref<80x128xf32, #tpu.memory_space<vmem_shared>>) target_semaphore(%run_scoped3A_91 : memref<!tpu.dma_semaphore, #tpu.memory_space<semaphore_mem>>)
      %dma_wait3A_102 = arith.constant 0 : i32
      %dma_wait3A_103 = arith.constant 0 : i32
      %dma_wait3A_104 = tpu.memref_slice %arg8[%dma_wait3A_102, %dma_wait3A_103] : memref<100x128xf32, #tpu.memory_space<vmem>> -> memref<80x128xf32, #tpu.memory_space<vmem>>
      %dma_wait3A_105 = arith.constant 0 : i32
      %dma_wait3A_106 = tpu.memref_slice %arg10[%add3A_26, %dma_wait3A_105] : memref<10000x128xf32, #tpu.memory_space<vmem_shared>> -> memref<80x128xf32, #tpu.memory_space<vmem_shared>>
      %dma_wait3A_107 = arith.constant 0 : i32
      %dma_wait3A_108 = tpu.memref_slice %arg10[%add3A_26, %dma_wait3A_107] : memref<10000x128xf32, #tpu.memory_space<vmem_shared>> -> memref<80x128xf32, #tpu.memory_space<vmem_shared>>
      %dma_wait3A_109 = arith.constant 0 : i32
      %dma_wait3A_110 = arith.constant 0 : i32
      %dma_wait3A_111 = tpu.memref_slice %arg8[%dma_wait3A_109, %dma_wait3A_110] : memref<100x128xf32, #tpu.memory_space<vmem>> -> memref<80x128xf32, #tpu.memory_space<vmem>>
      tpu.wait_dma2 semaphore(%run_scoped3A_91 : memref<!tpu.dma_semaphore, #tpu.memory_space<semaphore_mem>>) src(%dma_wait3A_111 : memref<80x128xf32, #tpu.memory_space<vmem>>) dst(%dma_wait3A_108 : memref<80x128xf32, #tpu.memory_space<vmem_shared>>)
      tpu.yield
    }) : () -> ()
    %mul3A_27 = arith.constant 624 : i32
    %mul3A_28 = arith.muli %arg1, %mul3A_27 : i32
    %add3A_29 = arith.constant 400 : i32
    %add3A_30 = arith.addi %mul3A_28, %add3A_29 : i32
    "tpu.region"() ({
      %run_scoped3A_91 = tpu.sem_alloc : memref<!tpu.dma_semaphore, #tpu.memory_space<semaphore_mem>>
      %dma_start3A_92 = arith.constant 0 : i32
      %dma_start3A_93 = arith.constant 0 : i32
      %dma_start3A_94 = tpu.memref_slice %arg8[%dma_start3A_92, %dma_start3A_93] : memref<100x128xf32, #tpu.memory_space<vmem>> -> memref<80x128xf32, #tpu.memory_space<vmem>>
      %dma_start3A_95 = arith.constant 0 : i32
      %dma_start3A_96 = tpu.memref_slice %arg10[%add3A_30, %dma_start3A_95] : memref<10000x128xf32, #tpu.memory_space<vmem_shared>> -> memref<80x128xf32, #tpu.memory_space<vmem_shared>>
      %dma_start3A_97 = arith.constant 0 : i32
      %dma_start3A_98 = tpu.memref_slice %arg10[%add3A_30, %dma_start3A_97] : memref<10000x128xf32, #tpu.memory_space<vmem_shared>> -> memref<80x128xf32, #tpu.memory_space<vmem_shared>>
      %dma_start3A_99 = arith.constant 0 : i32
      %dma_start3A_100 = arith.constant 0 : i32
      %dma_start3A_101 = tpu.memref_slice %arg8[%dma_start3A_99, %dma_start3A_100] : memref<100x128xf32, #tpu.memory_space<vmem>> -> memref<80x128xf32, #tpu.memory_space<vmem>>
      tpu.enqueue_dma source(%dma_start3A_101 : memref<80x128xf32, #tpu.memory_space<vmem>>) target(%dma_start3A_98 : memref<80x128xf32, #tpu.memory_space<vmem_shared>>) target_semaphore(%run_scoped3A_91 : memref<!tpu.dma_semaphore, #tpu.memory_space<semaphore_mem>>)
      %dma_wait3A_102 = arith.constant 0 : i32
      %dma_wait3A_103 = arith.constant 0 : i32
      %dma_wait3A_104 = tpu.memref_slice %arg8[%dma_wait3A_102, %dma_wait3A_103] : memref<100x128xf32, #tpu.memory_space<vmem>> -> memref<80x128xf32, #tpu.memory_space<vmem>>
      %dma_wait3A_105 = arith.constant 0 : i32
      %dma_wait3A_106 = tpu.memref_slice %arg10[%add3A_30, %dma_wait3A_105] : memref<10000x128xf32, #tpu.memory_space<vmem_shared>> -> memref<80x128xf32, #tpu.memory_space<vmem_shared>>
      %dma_wait3A_107 = arith.constant 0 : i32
      %dma_wait3A_108 = tpu.memref_slice %arg10[%add3A_30, %dma_wait3A_107] : memref<10000x128xf32, #tpu.memory_space<vmem_shared>> -> memref<80x128xf32, #tpu.memory_space<vmem_shared>>
      %dma_wait3A_109 = arith.constant 0 : i32
      %dma_wait3A_110 = arith.constant 0 : i32
      %dma_wait3A_111 = tpu.memref_slice %arg8[%dma_wait3A_109, %dma_wait3A_110] : memref<100x128xf32, #tpu.memory_space<vmem>> -> memref<80x128xf32, #tpu.memory_space<vmem>>
      tpu.wait_dma2 semaphore(%run_scoped3A_91 : memref<!tpu.dma_semaphore, #tpu.memory_space<semaphore_mem>>) src(%dma_wait3A_111 : memref<80x128xf32, #tpu.memory_space<vmem>>) dst(%dma_wait3A_108 : memref<80x128xf32, #tpu.memory_space<vmem_shared>>)
      tpu.yield
    }) : () -> ()
    %mul3A_31 = arith.constant 624 : i32
    %mul3A_32 = arith.muli %arg1, %mul3A_31 : i32
    %add3A_33 = arith.constant 480 : i32
    %add3A_34 = arith.addi %mul3A_32, %add3A_33 : i32
    "tpu.region"() ({
      %run_scoped3A_91 = tpu.sem_alloc : memref<!tpu.dma_semaphore, #tpu.memory_space<semaphore_mem>>
      %dma_start3A_92 = arith.constant 0 : i32
      %dma_start3A_93 = arith.constant 0 : i32
      %dma_start3A_94 = tpu.memref_slice %arg8[%dma_start3A_92, %dma_start3A_93] : memref<100x128xf32, #tpu.memory_space<vmem>> -> memref<80x128xf32, #tpu.memory_space<vmem>>
      %dma_start3A_95 = arith.constant 0 : i32
      %dma_start3A_96 = tpu.memref_slice %arg10[%add3A_34, %dma_start3A_95] : memref<10000x128xf32, #tpu.memory_space<vmem_shared>> -> memref<80x128xf32, #tpu.memory_space<vmem_shared>>
      %dma_start3A_97 = arith.constant 0 : i32
      %dma_start3A_98 = tpu.memref_slice %arg10[%add3A_34, %dma_start3A_97] : memref<10000x128xf32, #tpu.memory_space<vmem_shared>> -> memref<80x128xf32, #tpu.memory_space<vmem_shared>>
      %dma_start3A_99 = arith.constant 0 : i32
      %dma_start3A_100 = arith.constant 0 : i32
      %dma_start3A_101 = tpu.memref_slice %arg8[%dma_start3A_99, %dma_start3A_100] : memref<100x128xf32, #tpu.memory_space<vmem>> -> memref<80x128xf32, #tpu.memory_space<vmem>>
      tpu.enqueue_dma source(%dma_start3A_101 : memref<80x128xf32, #tpu.memory_space<vmem>>) target(%dma_start3A_98 : memref<80x128xf32, #tpu.memory_space<vmem_shared>>) target_semaphore(%run_scoped3A_91 : memref<!tpu.dma_semaphore, #tpu.memory_space<semaphore_mem>>)
      %dma_wait3A_102 = arith.constant 0 : i32
      %dma_wait3A_103 = arith.constant 0 : i32
      %dma_wait3A_104 = tpu.memref_slice %arg8[%dma_wait3A_102, %dma_wait3A_103] : memref<100x128xf32, #tpu.memory_space<vmem>> -> memref<80x128xf32, #tpu.memory_space<vmem>>
      %dma_wait3A_105 = arith.constant 0 : i32
      %dma_wait3A_106 = tpu.memref_slice %arg10[%add3A_34, %dma_wait3A_105] : memref<10000x128xf32, #tpu.memory_space<vmem_shared>> -> memref<80x128xf32, #tpu.memory_space<vmem_shared>>
      %dma_wait3A_107 = arith.constant 0 : i32
      %dma_wait3A_108 = tpu.memref_slice %arg10[%add3A_34, %dma_wait3A_107] : memref<10000x128xf32, #tpu.memory_space<vmem_shared>> -> memref<80x128xf32, #tpu.memory_space<vmem_shared>>
      %dma_wait3A_109 = arith.constant 0 : i32
      %dma_wait3A_110 = arith.constant 0 : i32
      %dma_wait3A_111 = tpu.memref_slice %arg8[%dma_wait3A_109, %dma_wait3A_110] : memref<100x128xf32, #tpu.memory_space<vmem>> -> memref<80x128xf32, #tpu.memory_space<vmem>>
      tpu.wait_dma2 semaphore(%run_scoped3A_91 : memref<!tpu.dma_semaphore, #tpu.memory_space<semaphore_mem>>) src(%dma_wait3A_111 : memref<80x128xf32, #tpu.memory_space<vmem>>) dst(%dma_wait3A_108 : memref<80x128xf32, #tpu.memory_space<vmem_shared>>)
      tpu.yield
    }) : () -> ()
    %mul3A_35 = arith.constant 624 : i32
    %mul3A_36 = arith.muli %arg1, %mul3A_35 : i32
    %add3A_37 = arith.constant 560 : i32
    %add3A_38 = arith.addi %mul3A_36, %add3A_37 : i32
    "tpu.region"() ({
      %run_scoped3A_91 = tpu.sem_alloc : memref<!tpu.dma_semaphore, #tpu.memory_space<semaphore_mem>>
      %dma_start3A_92 = arith.constant 0 : i32
      %dma_start3A_93 = arith.constant 0 : i32
      %dma_start3A_94 = tpu.memref_slice %arg8[%dma_start3A_92, %dma_start3A_93] : memref<100x128xf32, #tpu.memory_space<vmem>> -> memref<64x128xf32, #tpu.memory_space<vmem>>
      %dma_start3A_95 = arith.constant 0 : i32
      %dma_start3A_96 = tpu.memref_slice %arg10[%add3A_38, %dma_start3A_95] : memref<10000x128xf32, #tpu.memory_space<vmem_shared>> -> memref<64x128xf32, #tpu.memory_space<vmem_shared>>
      %dma_start3A_97 = arith.constant 0 : i32
      %dma_start3A_98 = tpu.memref_slice %arg10[%add3A_38, %dma_start3A_97] : memref<10000x128xf32, #tpu.memory_space<vmem_shared>> -> memref<64x128xf32, #tpu.memory_space<vmem_shared>>
      %dma_start3A_99 = arith.constant 0 : i32
      %dma_start3A_100 = arith.constant 0 : i32
      %dma_start3A_101 = tpu.memref_slice %arg8[%dma_start3A_99, %dma_start3A_100] : memref<100x128xf32, #tpu.memory_space<vmem>> -> memref<64x128xf32, #tpu.memory_space<vmem>>
      tpu.enqueue_dma source(%dma_start3A_101 : memref<64x128xf32, #tpu.memory_space<vmem>>) target(%dma_start3A_98 : memref<64x128xf32, #tpu.memory_space<vmem_shared>>) target_semaphore(%run_scoped3A_91 : memref<!tpu.dma_semaphore, #tpu.memory_space<semaphore_mem>>)
      %dma_wait3A_102 = arith.constant 0 : i32
      %dma_wait3A_103 = arith.constant 0 : i32
      %dma_wait3A_104 = tpu.memref_slice %arg8[%dma_wait3A_102, %dma_wait3A_103] : memref<100x128xf32, #tpu.memory_space<vmem>> -> memref<64x128xf32, #tpu.memory_space<vmem>>
      %dma_wait3A_105 = arith.constant 0 : i32
      %dma_wait3A_106 = tpu.memref_slice %arg10[%add3A_38, %dma_wait3A_105] : memref<10000x128xf32, #tpu.memory_space<vmem_shared>> -> memref<64x128xf32, #tpu.memory_space<vmem_shared>>
      %dma_wait3A_107 = arith.constant 0 : i32
      %dma_wait3A_108 = tpu.memref_slice %arg10[%add3A_38, %dma_wait3A_107] : memref<10000x128xf32, #tpu.memory_space<vmem_shared>> -> memref<64x128xf32, #tpu.memory_space<vmem_shared>>
      %dma_wait3A_109 = arith.constant 0 : i32
      %dma_wait3A_110 = arith.constant 0 : i32
      %dma_wait3A_111 = tpu.memref_slice %arg8[%dma_wait3A_109, %dma_wait3A_110] : memref<100x128xf32, #tpu.memory_space<vmem>> -> memref<64x128xf32, #tpu.memory_space<vmem>>
      tpu.wait_dma2 semaphore(%run_scoped3A_91 : memref<!tpu.dma_semaphore, #tpu.memory_space<semaphore_mem>>) src(%dma_wait3A_111 : memref<64x128xf32, #tpu.memory_space<vmem>>) dst(%dma_wait3A_108 : memref<64x128xf32, #tpu.memory_space<vmem_shared>>)
      tpu.yield
    }) : () -> ()
    %eq3A = arith.constant 0 : i32
    %eq3A_39 = arith.cmpi eq, %arg1, %eq3A : i32
    %convert_element_type3A = arith.extui %eq3A_39 : i1 to i32
    %cond3A = arith.constant 0 : i32
    %cond3A_40 = arith.cmpi ne, %convert_element_type3A, %cond3A : i32
    scf.if %cond3A_40 {
      "tpu.region"() ({
        %run_scoped3A_91 = tpu.sem_alloc : memref<!tpu.dma_semaphore, #tpu.memory_space<semaphore_mem>>
        %dma_start3A_92 = arith.constant 0 : i32
        %dma_start3A_93 = arith.constant 0 : i32
        %dma_start3A_94 = tpu.memref_slice %arg8[%dma_start3A_92, %dma_start3A_93] : memref<100x128xf32, #tpu.memory_space<vmem>> -> memref<16x128xf32, #tpu.memory_space<vmem>>
        %dma_start3A_95 = arith.constant 9984 : i32
        %dma_start3A_96 = arith.constant 0 : i32
        %dma_start3A_97 = tpu.memref_slice %arg10[%dma_start3A_95, %dma_start3A_96] : memref<10000x128xf32, #tpu.memory_space<vmem_shared>> -> memref<16x128xf32, #tpu.memory_space<vmem_shared>>
        %dma_start3A_98 = arith.constant 9984 : i32
        %dma_start3A_99 = arith.constant 0 : i32
        %dma_start3A_100 = tpu.memref_slice %arg10[%dma_start3A_98, %dma_start3A_99] : memref<10000x128xf32, #tpu.memory_space<vmem_shared>> -> memref<16x128xf32, #tpu.memory_space<vmem_shared>>
        %dma_start3A_101 = arith.constant 0 : i32
        %dma_start3A_102 = arith.constant 0 : i32
        %dma_start3A_103 = tpu.memref_slice %arg8[%dma_start3A_101, %dma_start3A_102] : memref<100x128xf32, #tpu.memory_space<vmem>> -> memref<16x128xf32, #tpu.memory_space<vmem>>
        tpu.enqueue_dma source(%dma_start3A_103 : memref<16x128xf32, #tpu.memory_space<vmem>>) target(%dma_start3A_100 : memref<16x128xf32, #tpu.memory_space<vmem_shared>>) target_semaphore(%run_scoped3A_91 : memref<!tpu.dma_semaphore, #tpu.memory_space<semaphore_mem>>)
        %dma_wait3A_104 = arith.constant 0 : i32
        %dma_wait3A_105 = arith.constant 0 : i32
        %dma_wait3A_106 = tpu.memref_slice %arg8[%dma_wait3A_104, %dma_wait3A_105] : memref<100x128xf32, #tpu.memory_space<vmem>> -> memref<16x128xf32, #tpu.memory_space<vmem>>
        %dma_wait3A_107 = arith.constant 9984 : i32
        %dma_wait3A_108 = arith.constant 0 : i32
        %dma_wait3A_109 = tpu.memref_slice %arg10[%dma_wait3A_107, %dma_wait3A_108] : memref<10000x128xf32, #tpu.memory_space<vmem_shared>> -> memref<16x128xf32, #tpu.memory_space<vmem_shared>>
        %dma_wait3A_110 = arith.constant 9984 : i32
        %dma_wait3A_111 = arith.constant 0 : i32
        %dma_wait3A_112 = tpu.memref_slice %arg10[%dma_wait3A_110, %dma_wait3A_111] : memref<10000x128xf32, #tpu.memory_space<vmem_shared>> -> memref<16x128xf32, #tpu.memory_space<vmem_shared>>
        %dma_wait3A_113 = arith.constant 0 : i32
        %dma_wait3A_114 = arith.constant 0 : i32
        %dma_wait3A_115 = tpu.memref_slice %arg8[%dma_wait3A_113, %dma_wait3A_114] : memref<100x128xf32, #tpu.memory_space<vmem>> -> memref<16x128xf32, #tpu.memory_space<vmem>>
        tpu.wait_dma2 semaphore(%run_scoped3A_91 : memref<!tpu.dma_semaphore, #tpu.memory_space<semaphore_mem>>) src(%dma_wait3A_115 : memref<16x128xf32, #tpu.memory_space<vmem>>) dst(%dma_wait3A_112 : memref<16x128xf32, #tpu.memory_space<vmem_shared>>)
        tpu.yield
      }) : () -> ()
    } else {
    }
    %dma_start3A = arith.constant 0 : i32
    %dma_start3A_41 = arith.constant 0 : i32
    %dma_start3A_42 = tpu.memref_slice %arg6[%dma_start3A, %dma_start3A_41] : memref<50x100xi32, #tpu.memory_space<vmem>> -> memref<1x100xi32, #tpu.memory_space<vmem>>
    %dma_start3A_43 = tpu.memref_squeeze %dma_start3A_42 : memref<1x100xi32, #tpu.memory_space<vmem>> -> memref<100xi32, #tpu.memory_space<vmem>>
    %dma_start3A_44 = arith.constant 0 : i32
    %dma_start3A_45 = arith.constant 0 : i32
    %dma_start3A_46 = tpu.memref_slice %arg2[%dma_start3A_44, %dma_start3A_45] : memref<10000x128xf32, #tpu.memory_space<hbm>> -> memref<10000x128xf32, #tpu.memory_space<hbm>>
    tpu.enqueue_indirect_dma source(%dma_start3A_46 : memref<10000x128xf32, #tpu.memory_space<hbm>>) target(%arg8 : memref<100x128xf32, #tpu.memory_space<vmem>>) offsets(%dma_start3A_43 : memref<100xi32, #tpu.memory_space<vmem>>) semaphore(%arg11 : memref<!tpu.dma_semaphore, #tpu.memory_space<semaphore_mem>>)
    %barrier3A = arith.constant 0 : index
    tpu.barrier barrier_id(%barrier3A)
    %scan3A_47 = arith.constant 0 : i32
    %scan3A_48 = arith.constant 0 : i32
    %scan3A_49 = arith.constant 25 : i32
    %scan3A_50 = arith.addi %scan3A_48, %scan3A_49 : i32
    %scan3A_51 = arith.constant 1 : i32
    scf.for %scan3A_91 = %scan3A_48 to %scan3A_50 step %scan3A_51  : i32 {
      %mul3A_92 = arith.constant 2 : i32
      %mul3A_93 = arith.muli %mul3A_92, %scan3A_91 : i32
      %gt3A = arith.constant 0 : i32
      %gt3A_94 = arith.cmpi sgt, %scan3A_91, %gt3A : i32
      %dma_wait3A_95 = arith.constant 0 : i32
      %dma_wait3A_96 = tpu.memref_slice %arg6[%mul3A_93, %dma_wait3A_95] : memref<50x100xi32, #tpu.memory_space<vmem>> -> memref<1x100xi32, #tpu.memory_space<vmem>>
      %dma_wait3A_97 = tpu.memref_squeeze %dma_wait3A_96 : memref<1x100xi32, #tpu.memory_space<vmem>> -> memref<100xi32, #tpu.memory_space<vmem>>
      %dma_wait3A_98 = arith.constant 0 : i32
      %dma_wait3A_99 = arith.constant 0 : i32
      %dma_wait3A_100 = tpu.memref_slice %arg2[%dma_wait3A_98, %dma_wait3A_99] : memref<10000x128xf32, #tpu.memory_space<hbm>> -> memref<10000x128xf32, #tpu.memory_space<hbm>>
      tpu.wait_indirect_dma semaphore(%arg11 : memref<!tpu.dma_semaphore, #tpu.memory_space<semaphore_mem>>) src(%dma_wait3A_100 : memref<10000x128xf32, #tpu.memory_space<hbm>>) dst(%arg8 : memref<100x128xf32, #tpu.memory_space<vmem>>)
      %dma_start3A_101 = arith.constant 0 : i32
      %dma_start3A_102 = tpu.memref_slice %arg7[%mul3A_93, %dma_start3A_101] : memref<50x100xi32, #tpu.memory_space<vmem>> -> memref<1x100xi32, #tpu.memory_space<vmem>>
      %dma_start3A_103 = tpu.memref_squeeze %dma_start3A_102 : memref<1x100xi32, #tpu.memory_space<vmem>> -> memref<100xi32, #tpu.memory_space<vmem>>
      %dma_start3A_104 = arith.constant 0 : i32
      %dma_start3A_105 = arith.constant 0 : i32
      %dma_start3A_106 = tpu.memref_slice %arg10[%dma_start3A_104, %dma_start3A_105] : memref<10000x128xf32, #tpu.memory_space<vmem_shared>> -> memref<10000x128xf32, #tpu.memory_space<vmem_shared>>
      tpu.enqueue_indirect_dma source(%arg8 : memref<100x128xf32, #tpu.memory_space<vmem>>) target(%dma_start3A_106 : memref<10000x128xf32, #tpu.memory_space<vmem_shared>>) offsets(%dma_start3A_103 : memref<100xi32, #tpu.memory_space<vmem>>) semaphore(%arg13 : memref<!tpu.dma_semaphore, #tpu.memory_space<semaphore_mem>>) {add = true}
      %convert_element_type3A_107 = arith.extui %gt3A_94 : i1 to i32
      %cond3A_108 = arith.constant 0 : i32
      %cond3A_109 = arith.cmpi ne, %convert_element_type3A_107, %cond3A_108 : i32
      scf.if %cond3A_109 {
        %sub3A_145 = arith.constant 1 : i32
        %sub3A_146 = arith.subi %mul3A_93, %sub3A_145 : i32
        %dma_wait3A_147 = arith.constant 0 : i32
        %dma_wait3A_148 = tpu.memref_slice %arg7[%sub3A_146, %dma_wait3A_147] : memref<50x100xi32, #tpu.memory_space<vmem>> -> memref<1x100xi32, #tpu.memory_space<vmem>>
        %dma_wait3A_149 = tpu.memref_squeeze %dma_wait3A_148 : memref<1x100xi32, #tpu.memory_space<vmem>> -> memref<100xi32, #tpu.memory_space<vmem>>
        %dma_wait3A_150 = arith.constant 0 : i32
        %dma_wait3A_151 = arith.constant 0 : i32
        %dma_wait3A_152 = tpu.memref_slice %arg10[%dma_wait3A_150, %dma_wait3A_151] : memref<10000x128xf32, #tpu.memory_space<vmem_shared>> -> memref<10000x128xf32, #tpu.memory_space<vmem_shared>>
        tpu.wait_indirect_dma semaphore(%arg14 : memref<!tpu.dma_semaphore, #tpu.memory_space<semaphore_mem>>) src(%arg9 : memref<100x128xf32, #tpu.memory_space<vmem>>) dst(%dma_wait3A_152 : memref<10000x128xf32, #tpu.memory_space<vmem_shared>>)
      } else {
      }
      %add3A_110 = arith.constant 1 : i32
      %add3A_111 = arith.addi %mul3A_93, %add3A_110 : i32
      %dma_start3A_112 = arith.constant 0 : i32
      %dma_start3A_113 = tpu.memref_slice %arg6[%add3A_111, %dma_start3A_112] : memref<50x100xi32, #tpu.memory_space<vmem>> -> memref<1x100xi32, #tpu.memory_space<vmem>>
      %dma_start3A_114 = tpu.memref_squeeze %dma_start3A_113 : memref<1x100xi32, #tpu.memory_space<vmem>> -> memref<100xi32, #tpu.memory_space<vmem>>
      %dma_start3A_115 = arith.constant 0 : i32
      %dma_start3A_116 = arith.constant 0 : i32
      %dma_start3A_117 = tpu.memref_slice %arg2[%dma_start3A_115, %dma_start3A_116] : memref<10000x128xf32, #tpu.memory_space<hbm>> -> memref<10000x128xf32, #tpu.memory_space<hbm>>
      tpu.enqueue_indirect_dma source(%dma_start3A_117 : memref<10000x128xf32, #tpu.memory_space<hbm>>) target(%arg9 : memref<100x128xf32, #tpu.memory_space<vmem>>) offsets(%dma_start3A_114 : memref<100xi32, #tpu.memory_space<vmem>>) semaphore(%arg12 : memref<!tpu.dma_semaphore, #tpu.memory_space<semaphore_mem>>)
      %mul3A_118 = arith.constant 2 : i32
      %mul3A_119 = arith.muli %mul3A_118, %scan3A_91 : i32
      %add3A_120 = arith.constant 1 : i32
      %add3A_121 = arith.addi %mul3A_119, %add3A_120 : i32
      %lt3A = arith.constant 24 : i32
      %lt3A_122 = arith.cmpi slt, %scan3A_91, %lt3A : i32
      %dma_wait3A_123 = arith.constant 0 : i32
      %dma_wait3A_124 = tpu.memref_slice %arg6[%add3A_121, %dma_wait3A_123] : memref<50x100xi32, #tpu.memory_space<vmem>> -> memref<1x100xi32, #tpu.memory_space<vmem>>
      %dma_wait3A_125 = tpu.memref_squeeze %dma_wait3A_124 : memref<1x100xi32, #tpu.memory_space<vmem>> -> memref<100xi32, #tpu.memory_space<vmem>>
      %dma_wait3A_126 = arith.constant 0 : i32
      %dma_wait3A_127 = arith.constant 0 : i32
      %dma_wait3A_128 = tpu.memref_slice %arg2[%dma_wait3A_126, %dma_wait3A_127] : memref<10000x128xf32, #tpu.memory_space<hbm>> -> memref<10000x128xf32, #tpu.memory_space<hbm>>
      tpu.wait_indirect_dma semaphore(%arg12 : memref<!tpu.dma_semaphore, #tpu.memory_space<semaphore_mem>>) src(%dma_wait3A_128 : memref<10000x128xf32, #tpu.memory_space<hbm>>) dst(%arg9 : memref<100x128xf32, #tpu.memory_space<vmem>>)
      %dma_start3A_129 = arith.constant 0 : i32
      %dma_start3A_130 = tpu.memref_slice %arg7[%add3A_121, %dma_start3A_129] : memref<50x100xi32, #tpu.memory_space<vmem>> -> memref<1x100xi32, #tpu.memory_space<vmem>>
      %dma_start3A_131 = tpu.memref_squeeze %dma_start3A_130 : memref<1x100xi32, #tpu.memory_space<vmem>> -> memref<100xi32, #tpu.memory_space<vmem>>
      %dma_start3A_132 = arith.constant 0 : i32
      %dma_start3A_133 = arith.constant 0 : i32
      %dma_start3A_134 = tpu.memref_slice %arg10[%dma_start3A_132, %dma_start3A_133] : memref<10000x128xf32, #tpu.memory_space<vmem_shared>> -> memref<10000x128xf32, #tpu.memory_space<vmem_shared>>
      tpu.enqueue_indirect_dma source(%arg9 : memref<100x128xf32, #tpu.memory_space<vmem>>) target(%dma_start3A_134 : memref<10000x128xf32, #tpu.memory_space<vmem_shared>>) offsets(%dma_start3A_131 : memref<100xi32, #tpu.memory_space<vmem>>) semaphore(%arg14 : memref<!tpu.dma_semaphore, #tpu.memory_space<semaphore_mem>>) {add = true}
      %sub3A = arith.constant 1 : i32
      %sub3A_135 = arith.subi %add3A_121, %sub3A : i32
      %dma_wait3A_136 = arith.constant 0 : i32
      %dma_wait3A_137 = tpu.memref_slice %arg7[%sub3A_135, %dma_wait3A_136] : memref<50x100xi32, #tpu.memory_space<vmem>> -> memref<1x100xi32, #tpu.memory_space<vmem>>
      %dma_wait3A_138 = tpu.memref_squeeze %dma_wait3A_137 : memref<1x100xi32, #tpu.memory_space<vmem>> -> memref<100xi32, #tpu.memory_space<vmem>>
      %dma_wait3A_139 = arith.constant 0 : i32
      %dma_wait3A_140 = arith.constant 0 : i32
      %dma_wait3A_141 = tpu.memref_slice %arg10[%dma_wait3A_139, %dma_wait3A_140] : memref<10000x128xf32, #tpu.memory_space<vmem_shared>> -> memref<10000x128xf32, #tpu.memory_space<vmem_shared>>
      tpu.wait_indirect_dma semaphore(%arg13 : memref<!tpu.dma_semaphore, #tpu.memory_space<semaphore_mem>>) src(%arg8 : memref<100x128xf32, #tpu.memory_space<vmem>>) dst(%dma_wait3A_141 : memref<10000x128xf32, #tpu.memory_space<vmem_shared>>)
      %convert_element_type3A_142 = arith.extui %lt3A_122 : i1 to i32
      %cond3A_143 = arith.constant 0 : i32
      %cond3A_144 = arith.cmpi ne, %convert_element_type3A_142, %cond3A_143 : i32
      scf.if %cond3A_144 {
        %add3A_145 = arith.constant 1 : i32
        %add3A_146 = arith.addi %add3A_121, %add3A_145 : i32
        %dma_start3A_147 = arith.constant 0 : i32
        %dma_start3A_148 = tpu.memref_slice %arg6[%add3A_146, %dma_start3A_147] : memref<50x100xi32, #tpu.memory_space<vmem>> -> memref<1x100xi32, #tpu.memory_space<vmem>>
        %dma_start3A_149 = tpu.memref_squeeze %dma_start3A_148 : memref<1x100xi32, #tpu.memory_space<vmem>> -> memref<100xi32, #tpu.memory_space<vmem>>
        %dma_start3A_150 = arith.constant 0 : i32
        %dma_start3A_151 = arith.constant 0 : i32
        %dma_start3A_152 = tpu.memref_slice %arg2[%dma_start3A_150, %dma_start3A_151] : memref<10000x128xf32, #tpu.memory_space<hbm>> -> memref<10000x128xf32, #tpu.memory_space<hbm>>
        tpu.enqueue_indirect_dma source(%dma_start3A_152 : memref<10000x128xf32, #tpu.memory_space<hbm>>) target(%arg8 : memref<100x128xf32, #tpu.memory_space<vmem>>) offsets(%dma_start3A_149 : memref<100xi32, #tpu.memory_space<vmem>>) semaphore(%arg11 : memref<!tpu.dma_semaphore, #tpu.memory_space<semaphore_mem>>)
      } else {
      }
    }
    %scan3A_52 = arith.constant 25 : i32
    %dma_wait3A = arith.constant 49 : i32
    %dma_wait3A_53 = arith.constant 0 : i32
    %dma_wait3A_54 = tpu.memref_slice %arg7[%dma_wait3A, %dma_wait3A_53] : memref<50x100xi32, #tpu.memory_space<vmem>> -> memref<1x100xi32, #tpu.memory_space<vmem>>
    %dma_wait3A_55 = tpu.memref_squeeze %dma_wait3A_54 : memref<1x100xi32, #tpu.memory_space<vmem>> -> memref<100xi32, #tpu.memory_space<vmem>>
    %dma_wait3A_56 = arith.constant 0 : i32
    %dma_wait3A_57 = arith.constant 0 : i32
    %dma_wait3A_58 = tpu.memref_slice %arg10[%dma_wait3A_56, %dma_wait3A_57] : memref<10000x128xf32, #tpu.memory_space<vmem_shared>> -> memref<10000x128xf32, #tpu.memory_space<vmem_shared>>
    tpu.wait_indirect_dma semaphore(%arg14 : memref<!tpu.dma_semaphore, #tpu.memory_space<semaphore_mem>>) src(%arg9 : memref<100x128xf32, #tpu.memory_space<vmem>>) dst(%dma_wait3A_58 : memref<10000x128xf32, #tpu.memory_space<vmem_shared>>)
    %run_scoped3A_59 = arith.constant 1 : i32
    "tpu.region"() ({
      %run_scoped3A_91 = tpu.sem_alloc : memref<!tpu.dma_semaphore, #tpu.memory_space<semaphore_mem>>
      %dma_start3A_92 = arith.constant 0 : i32
      %dma_start3A_93 = arith.constant 0 : i32
      %dma_start3A_94 = tpu.memref_slice %arg3[%add3A, %run_scoped3A_59, %dma_start3A_92, %dma_start3A_93] : memref<32x2x50x100xi32, #tpu.memory_space<hbm>> -> memref<1x1x50x100xi32, #tpu.memory_space<hbm>>
      %dma_start3A_95 = tpu.memref_squeeze %dma_start3A_94 : memref<1x1x50x100xi32, #tpu.memory_space<hbm>> -> memref<50x100xi32, #tpu.memory_space<hbm>>
      %dma_start3A_96 = arith.constant 0 : i32
      %dma_start3A_97 = arith.constant 0 : i32
      %dma_start3A_98 = tpu.memref_slice %arg3[%add3A, %run_scoped3A_59, %dma_start3A_96, %dma_start3A_97] : memref<32x2x50x100xi32, #tpu.memory_space<hbm>> -> memref<1x1x50x100xi32, #tpu.memory_space<hbm>>
      %dma_start3A_99 = tpu.memref_squeeze %dma_start3A_98 : memref<1x1x50x100xi32, #tpu.memory_space<hbm>> -> memref<50x100xi32, #tpu.memory_space<hbm>>
      tpu.enqueue_dma source(%dma_start3A_99 : memref<50x100xi32, #tpu.memory_space<hbm>>) target(%arg6 : memref<50x100xi32, #tpu.memory_space<vmem>>) target_semaphore(%run_scoped3A_91 : memref<!tpu.dma_semaphore, #tpu.memory_space<semaphore_mem>>)
      %dma_wait3A_100 = arith.constant 0 : i32
      %dma_wait3A_101 = arith.constant 0 : i32
      %dma_wait3A_102 = tpu.memref_slice %arg3[%add3A, %run_scoped3A_59, %dma_wait3A_100, %dma_wait3A_101] : memref<32x2x50x100xi32, #tpu.memory_space<hbm>> -> memref<1x1x50x100xi32, #tpu.memory_space<hbm>>
      %dma_wait3A_103 = tpu.memref_squeeze %dma_wait3A_102 : memref<1x1x50x100xi32, #tpu.memory_space<hbm>> -> memref<50x100xi32, #tpu.memory_space<hbm>>
      %dma_wait3A_104 = arith.constant 0 : i32
      %dma_wait3A_105 = arith.constant 0 : i32
      %dma_wait3A_106 = tpu.memref_slice %arg3[%add3A, %run_scoped3A_59, %dma_wait3A_104, %dma_wait3A_105] : memref<32x2x50x100xi32, #tpu.memory_space<hbm>> -> memref<1x1x50x100xi32, #tpu.memory_space<hbm>>
      %dma_wait3A_107 = tpu.memref_squeeze %dma_wait3A_106 : memref<1x1x50x100xi32, #tpu.memory_space<hbm>> -> memref<50x100xi32, #tpu.memory_space<hbm>>
      tpu.wait_dma2 semaphore(%run_scoped3A_91 : memref<!tpu.dma_semaphore, #tpu.memory_space<semaphore_mem>>) src(%dma_wait3A_107 : memref<50x100xi32, #tpu.memory_space<hbm>>) dst(%arg6 : memref<50x100xi32, #tpu.memory_space<vmem>>)
      tpu.yield
    }) : () -> ()
    %run_scoped3A_60 = arith.constant 1 : i32
    "tpu.region"() ({
      %run_scoped3A_91 = tpu.sem_alloc : memref<!tpu.dma_semaphore, #tpu.memory_space<semaphore_mem>>
      %dma_start3A_92 = arith.constant 0 : i32
      %dma_start3A_93 = arith.constant 0 : i32
      %dma_start3A_94 = tpu.memref_slice %arg4[%add3A, %run_scoped3A_60, %dma_start3A_92, %dma_start3A_93] : memref<32x2x50x100xi32, #tpu.memory_space<hbm>> -> memref<1x1x50x100xi32, #tpu.memory_space<hbm>>
      %dma_start3A_95 = tpu.memref_squeeze %dma_start3A_94 : memref<1x1x50x100xi32, #tpu.memory_space<hbm>> -> memref<50x100xi32, #tpu.memory_space<hbm>>
      %dma_start3A_96 = arith.constant 0 : i32
      %dma_start3A_97 = arith.constant 0 : i32
      %dma_start3A_98 = tpu.memref_slice %arg4[%add3A, %run_scoped3A_60, %dma_start3A_96, %dma_start3A_97] : memref<32x2x50x100xi32, #tpu.memory_space<hbm>> -> memref<1x1x50x100xi32, #tpu.memory_space<hbm>>
      %dma_start3A_99 = tpu.memref_squeeze %dma_start3A_98 : memref<1x1x50x100xi32, #tpu.memory_space<hbm>> -> memref<50x100xi32, #tpu.memory_space<hbm>>
      tpu.enqueue_dma source(%dma_start3A_99 : memref<50x100xi32, #tpu.memory_space<hbm>>) target(%arg7 : memref<50x100xi32, #tpu.memory_space<vmem>>) target_semaphore(%run_scoped3A_91 : memref<!tpu.dma_semaphore, #tpu.memory_space<semaphore_mem>>)
      %dma_wait3A_100 = arith.constant 0 : i32
      %dma_wait3A_101 = arith.constant 0 : i32
      %dma_wait3A_102 = tpu.memref_slice %arg4[%add3A, %run_scoped3A_60, %dma_wait3A_100, %dma_wait3A_101] : memref<32x2x50x100xi32, #tpu.memory_space<hbm>> -> memref<1x1x50x100xi32, #tpu.memory_space<hbm>>
      %dma_wait3A_103 = tpu.memref_squeeze %dma_wait3A_102 : memref<1x1x50x100xi32, #tpu.memory_space<hbm>> -> memref<50x100xi32, #tpu.memory_space<hbm>>
      %dma_wait3A_104 = arith.constant 0 : i32
      %dma_wait3A_105 = arith.constant 0 : i32
      %dma_wait3A_106 = tpu.memref_slice %arg4[%add3A, %run_scoped3A_60, %dma_wait3A_104, %dma_wait3A_105] : memref<32x2x50x100xi32, #tpu.memory_space<hbm>> -> memref<1x1x50x100xi32, #tpu.memory_space<hbm>>
      %dma_wait3A_107 = tpu.memref_squeeze %dma_wait3A_106 : memref<1x1x50x100xi32, #tpu.memory_space<hbm>> -> memref<50x100xi32, #tpu.memory_space<hbm>>
      tpu.wait_dma2 semaphore(%run_scoped3A_91 : memref<!tpu.dma_semaphore, #tpu.memory_space<semaphore_mem>>) src(%dma_wait3A_107 : memref<50x100xi32, #tpu.memory_space<hbm>>) dst(%arg7 : memref<50x100xi32, #tpu.memory_space<vmem>>)
      tpu.yield
    }) : () -> ()
    %dma_start3A_61 = arith.constant 0 : i32
    %dma_start3A_62 = arith.constant 0 : i32
    %dma_start3A_63 = tpu.memref_slice %arg6[%dma_start3A_61, %dma_start3A_62] : memref<50x100xi32, #tpu.memory_space<vmem>> -> memref<1x100xi32, #tpu.memory_space<vmem>>
    %dma_start3A_64 = tpu.memref_squeeze %dma_start3A_63 : memref<1x100xi32, #tpu.memory_space<vmem>> -> memref<100xi32, #tpu.memory_space<vmem>>
    %dma_start3A_65 = arith.constant 0 : i32
    %dma_start3A_66 = arith.constant 0 : i32
    %dma_start3A_67 = tpu.memref_slice %arg2[%dma_start3A_65, %dma_start3A_66] : memref<10000x128xf32, #tpu.memory_space<hbm>> -> memref<10000x128xf32, #tpu.memory_space<hbm>>
    tpu.enqueue_indirect_dma source(%dma_start3A_67 : memref<10000x128xf32, #tpu.memory_space<hbm>>) target(%arg8 : memref<100x128xf32, #tpu.memory_space<vmem>>) offsets(%dma_start3A_64 : memref<100xi32, #tpu.memory_space<vmem>>) semaphore(%arg11 : memref<!tpu.dma_semaphore, #tpu.memory_space<semaphore_mem>>)
    %scan3A_68 = arith.constant 0 : i32
    %scan3A_69 = arith.constant 0 : i32
    %scan3A_70 = arith.constant 25 : i32
    %scan3A_71 = arith.addi %scan3A_69, %scan3A_70 : i32
    %scan3A_72 = arith.constant 1 : i32
    scf.for %scan3A_91 = %scan3A_69 to %scan3A_71 step %scan3A_72  : i32 {
      %mul3A_92 = arith.constant 2 : i32
      %mul3A_93 = arith.muli %mul3A_92, %scan3A_91 : i32
      %gt3A = arith.constant 0 : i32
      %gt3A_94 = arith.cmpi sgt, %scan3A_91, %gt3A : i32
      %dma_wait3A_95 = arith.constant 0 : i32
      %dma_wait3A_96 = tpu.memref_slice %arg6[%mul3A_93, %dma_wait3A_95] : memref<50x100xi32, #tpu.memory_space<vmem>> -> memref<1x100xi32, #tpu.memory_space<vmem>>
      %dma_wait3A_97 = tpu.memref_squeeze %dma_wait3A_96 : memref<1x100xi32, #tpu.memory_space<vmem>> -> memref<100xi32, #tpu.memory_space<vmem>>
      %dma_wait3A_98 = arith.constant 0 : i32
      %dma_wait3A_99 = arith.constant 0 : i32
      %dma_wait3A_100 = tpu.memref_slice %arg2[%dma_wait3A_98, %dma_wait3A_99] : memref<10000x128xf32, #tpu.memory_space<hbm>> -> memref<10000x128xf32, #tpu.memory_space<hbm>>
      tpu.wait_indirect_dma semaphore(%arg11 : memref<!tpu.dma_semaphore, #tpu.memory_space<semaphore_mem>>) src(%dma_wait3A_100 : memref<10000x128xf32, #tpu.memory_space<hbm>>) dst(%arg8 : memref<100x128xf32, #tpu.memory_space<vmem>>)
      %dma_start3A_101 = arith.constant 0 : i32
      %dma_start3A_102 = tpu.memref_slice %arg7[%mul3A_93, %dma_start3A_101] : memref<50x100xi32, #tpu.memory_space<vmem>> -> memref<1x100xi32, #tpu.memory_space<vmem>>
      %dma_start3A_103 = tpu.memref_squeeze %dma_start3A_102 : memref<1x100xi32, #tpu.memory_space<vmem>> -> memref<100xi32, #tpu.memory_space<vmem>>
      %dma_start3A_104 = arith.constant 0 : i32
      %dma_start3A_105 = arith.constant 0 : i32
      %dma_start3A_106 = tpu.memref_slice %arg10[%dma_start3A_104, %dma_start3A_105] : memref<10000x128xf32, #tpu.memory_space<vmem_shared>> -> memref<10000x128xf32, #tpu.memory_space<vmem_shared>>
      tpu.enqueue_indirect_dma source(%arg8 : memref<100x128xf32, #tpu.memory_space<vmem>>) target(%dma_start3A_106 : memref<10000x128xf32, #tpu.memory_space<vmem_shared>>) offsets(%dma_start3A_103 : memref<100xi32, #tpu.memory_space<vmem>>) semaphore(%arg13 : memref<!tpu.dma_semaphore, #tpu.memory_space<semaphore_mem>>) {add = true}
      %convert_element_type3A_107 = arith.extui %gt3A_94 : i1 to i32
      %cond3A_108 = arith.constant 0 : i32
      %cond3A_109 = arith.cmpi ne, %convert_element_type3A_107, %cond3A_108 : i32
      scf.if %cond3A_109 {
        %sub3A_145 = arith.constant 1 : i32
        %sub3A_146 = arith.subi %mul3A_93, %sub3A_145 : i32
        %dma_wait3A_147 = arith.constant 0 : i32
        %dma_wait3A_148 = tpu.memref_slice %arg7[%sub3A_146, %dma_wait3A_147] : memref<50x100xi32, #tpu.memory_space<vmem>> -> memref<1x100xi32, #tpu.memory_space<vmem>>
        %dma_wait3A_149 = tpu.memref_squeeze %dma_wait3A_148 : memref<1x100xi32, #tpu.memory_space<vmem>> -> memref<100xi32, #tpu.memory_space<vmem>>
        %dma_wait3A_150 = arith.constant 0 : i32
        %dma_wait3A_151 = arith.constant 0 : i32
        %dma_wait3A_152 = tpu.memref_slice %arg10[%dma_wait3A_150, %dma_wait3A_151] : memref<10000x128xf32, #tpu.memory_space<vmem_shared>> -> memref<10000x128xf32, #tpu.memory_space<vmem_shared>>
        tpu.wait_indirect_dma semaphore(%arg14 : memref<!tpu.dma_semaphore, #tpu.memory_space<semaphore_mem>>) src(%arg9 : memref<100x128xf32, #tpu.memory_space<vmem>>) dst(%dma_wait3A_152 : memref<10000x128xf32, #tpu.memory_space<vmem_shared>>)
      } else {
      }
      %add3A_110 = arith.constant 1 : i32
      %add3A_111 = arith.addi %mul3A_93, %add3A_110 : i32
      %dma_start3A_112 = arith.constant 0 : i32
      %dma_start3A_113 = tpu.memref_slice %arg6[%add3A_111, %dma_start3A_112] : memref<50x100xi32, #tpu.memory_space<vmem>> -> memref<1x100xi32, #tpu.memory_space<vmem>>
      %dma_start3A_114 = tpu.memref_squeeze %dma_start3A_113 : memref<1x100xi32, #tpu.memory_space<vmem>> -> memref<100xi32, #tpu.memory_space<vmem>>
      %dma_start3A_115 = arith.constant 0 : i32
      %dma_start3A_116 = arith.constant 0 : i32
      %dma_start3A_117 = tpu.memref_slice %arg2[%dma_start3A_115, %dma_start3A_116] : memref<10000x128xf32, #tpu.memory_space<hbm>> -> memref<10000x128xf32, #tpu.memory_space<hbm>>
      tpu.enqueue_indirect_dma source(%dma_start3A_117 : memref<10000x128xf32, #tpu.memory_space<hbm>>) target(%arg9 : memref<100x128xf32, #tpu.memory_space<vmem>>) offsets(%dma_start3A_114 : memref<100xi32, #tpu.memory_space<vmem>>) semaphore(%arg12 : memref<!tpu.dma_semaphore, #tpu.memory_space<semaphore_mem>>)
      %mul3A_118 = arith.constant 2 : i32
      %mul3A_119 = arith.muli %mul3A_118, %scan3A_91 : i32
      %add3A_120 = arith.constant 1 : i32
      %add3A_121 = arith.addi %mul3A_119, %add3A_120 : i32
      %lt3A = arith.constant 24 : i32
      %lt3A_122 = arith.cmpi slt, %scan3A_91, %lt3A : i32
      %dma_wait3A_123 = arith.constant 0 : i32
      %dma_wait3A_124 = tpu.memref_slice %arg6[%add3A_121, %dma_wait3A_123] : memref<50x100xi32, #tpu.memory_space<vmem>> -> memref<1x100xi32, #tpu.memory_space<vmem>>
      %dma_wait3A_125 = tpu.memref_squeeze %dma_wait3A_124 : memref<1x100xi32, #tpu.memory_space<vmem>> -> memref<100xi32, #tpu.memory_space<vmem>>
      %dma_wait3A_126 = arith.constant 0 : i32
      %dma_wait3A_127 = arith.constant 0 : i32
      %dma_wait3A_128 = tpu.memref_slice %arg2[%dma_wait3A_126, %dma_wait3A_127] : memref<10000x128xf32, #tpu.memory_space<hbm>> -> memref<10000x128xf32, #tpu.memory_space<hbm>>
      tpu.wait_indirect_dma semaphore(%arg12 : memref<!tpu.dma_semaphore, #tpu.memory_space<semaphore_mem>>) src(%dma_wait3A_128 : memref<10000x128xf32, #tpu.memory_space<hbm>>) dst(%arg9 : memref<100x128xf32, #tpu.memory_space<vmem>>)
      %dma_start3A_129 = arith.constant 0 : i32
      %dma_start3A_130 = tpu.memref_slice %arg7[%add3A_121, %dma_start3A_129] : memref<50x100xi32, #tpu.memory_space<vmem>> -> memref<1x100xi32, #tpu.memory_space<vmem>>
      %dma_start3A_131 = tpu.memref_squeeze %dma_start3A_130 : memref<1x100xi32, #tpu.memory_space<vmem>> -> memref<100xi32, #tpu.memory_space<vmem>>
      %dma_start3A_132 = arith.constant 0 : i32
      %dma_start3A_133 = arith.constant 0 : i32
      %dma_start3A_134 = tpu.memref_slice %arg10[%dma_start3A_132, %dma_start3A_133] : memref<10000x128xf32, #tpu.memory_space<vmem_shared>> -> memref<10000x128xf32, #tpu.memory_space<vmem_shared>>
      tpu.enqueue_indirect_dma source(%arg9 : memref<100x128xf32, #tpu.memory_space<vmem>>) target(%dma_start3A_134 : memref<10000x128xf32, #tpu.memory_space<vmem_shared>>) offsets(%dma_start3A_131 : memref<100xi32, #tpu.memory_space<vmem>>) semaphore(%arg14 : memref<!tpu.dma_semaphore, #tpu.memory_space<semaphore_mem>>) {add = true}
      %sub3A = arith.constant 1 : i32
      %sub3A_135 = arith.subi %add3A_121, %sub3A : i32
      %dma_wait3A_136 = arith.constant 0 : i32
      %dma_wait3A_137 = tpu.memref_slice %arg7[%sub3A_135, %dma_wait3A_136] : memref<50x100xi32, #tpu.memory_space<vmem>> -> memref<1x100xi32, #tpu.memory_space<vmem>>
      %dma_wait3A_138 = tpu.memref_squeeze %dma_wait3A_137 : memref<1x100xi32, #tpu.memory_space<vmem>> -> memref<100xi32, #tpu.memory_space<vmem>>
      %dma_wait3A_139 = arith.constant 0 : i32
      %dma_wait3A_140 = arith.constant 0 : i32
      %dma_wait3A_141 = tpu.memref_slice %arg10[%dma_wait3A_139, %dma_wait3A_140] : memref<10000x128xf32, #tpu.memory_space<vmem_shared>> -> memref<10000x128xf32, #tpu.memory_space<vmem_shared>>
      tpu.wait_indirect_dma semaphore(%arg13 : memref<!tpu.dma_semaphore, #tpu.memory_space<semaphore_mem>>) src(%arg8 : memref<100x128xf32, #tpu.memory_space<vmem>>) dst(%dma_wait3A_141 : memref<10000x128xf32, #tpu.memory_space<vmem_shared>>)
      %convert_element_type3A_142 = arith.extui %lt3A_122 : i1 to i32
      %cond3A_143 = arith.constant 0 : i32
      %cond3A_144 = arith.cmpi ne, %convert_element_type3A_142, %cond3A_143 : i32
      scf.if %cond3A_144 {
        %add3A_145 = arith.constant 1 : i32
        %add3A_146 = arith.addi %add3A_121, %add3A_145 : i32
        %dma_start3A_147 = arith.constant 0 : i32
        %dma_start3A_148 = tpu.memref_slice %arg6[%add3A_146, %dma_start3A_147] : memref<50x100xi32, #tpu.memory_space<vmem>> -> memref<1x100xi32, #tpu.memory_space<vmem>>
        %dma_start3A_149 = tpu.memref_squeeze %dma_start3A_148 : memref<1x100xi32, #tpu.memory_space<vmem>> -> memref<100xi32, #tpu.memory_space<vmem>>
        %dma_start3A_150 = arith.constant 0 : i32
        %dma_start3A_151 = arith.constant 0 : i32
        %dma_start3A_152 = tpu.memref_slice %arg2[%dma_start3A_150, %dma_start3A_151] : memref<10000x128xf32, #tpu.memory_space<hbm>> -> memref<10000x128xf32, #tpu.memory_space<hbm>>
        tpu.enqueue_indirect_dma source(%dma_start3A_152 : memref<10000x128xf32, #tpu.memory_space<hbm>>) target(%arg8 : memref<100x128xf32, #tpu.memory_space<vmem>>) offsets(%dma_start3A_149 : memref<100xi32, #tpu.memory_space<vmem>>) semaphore(%arg11 : memref<!tpu.dma_semaphore, #tpu.memory_space<semaphore_mem>>)
      } else {
      }
    }
    %scan3A_73 = arith.constant 25 : i32
    %dma_wait3A_74 = arith.constant 49 : i32
    %dma_wait3A_75 = arith.constant 0 : i32
    %dma_wait3A_76 = tpu.memref_slice %arg7[%dma_wait3A_74, %dma_wait3A_75] : memref<50x100xi32, #tpu.memory_space<vmem>> -> memref<1x100xi32, #tpu.memory_space<vmem>>
    %dma_wait3A_77 = tpu.memref_squeeze %dma_wait3A_76 : memref<1x100xi32, #tpu.memory_space<vmem>> -> memref<100xi32, #tpu.memory_space<vmem>>
    %dma_wait3A_78 = arith.constant 0 : i32
    %dma_wait3A_79 = arith.constant 0 : i32
    %dma_wait3A_80 = tpu.memref_slice %arg10[%dma_wait3A_78, %dma_wait3A_79] : memref<10000x128xf32, #tpu.memory_space<vmem_shared>> -> memref<10000x128xf32, #tpu.memory_space<vmem_shared>>
    tpu.wait_indirect_dma semaphore(%arg14 : memref<!tpu.dma_semaphore, #tpu.memory_space<semaphore_mem>>) src(%arg9 : memref<100x128xf32, #tpu.memory_space<vmem>>) dst(%dma_wait3A_80 : memref<10000x128xf32, #tpu.memory_space<vmem_shared>>)
    %barrier3A_81 = arith.constant 0 : index
    tpu.barrier barrier_id(%barrier3A_81)
    %mul3A_82 = arith.constant 624 : i32
    %mul3A_83 = arith.muli %arg1, %mul3A_82 : i32
    %mul3A_84 = arith.constant 624 : i32
    %mul3A_85 = arith.muli %arg1, %mul3A_84 : i32
    "tpu.region"() ({
      %run_scoped3A_91 = tpu.sem_alloc : memref<!tpu.dma_semaphore, #tpu.memory_space<semaphore_mem>>
      %dma_start3A_92 = arith.constant 0 : i32
      %dma_start3A_93 = tpu.memref_slice %arg5[%arg0, %mul3A_85, %dma_start3A_92] : memref<2x10000x128xf32, #tpu.memory_space<hbm>> -> memref<1x624x128xf32, #tpu.memory_space<hbm>>
      %dma_start3A_94 = tpu.memref_squeeze %dma_start3A_93 : memref<1x624x128xf32, #tpu.memory_space<hbm>> -> memref<624x128xf32, #tpu.memory_space<hbm>>
      %dma_start3A_95 = arith.constant 0 : i32
      %dma_start3A_96 = tpu.memref_slice %arg10[%mul3A_83, %dma_start3A_95] : memref<10000x128xf32, #tpu.memory_space<vmem_shared>> -> memref<624x128xf32, #tpu.memory_space<vmem_shared>>
      tpu.enqueue_dma source(%dma_start3A_96 : memref<624x128xf32, #tpu.memory_space<vmem_shared>>) target(%dma_start3A_94 : memref<624x128xf32, #tpu.memory_space<hbm>>) target_semaphore(%run_scoped3A_91 : memref<!tpu.dma_semaphore, #tpu.memory_space<semaphore_mem>>)
      %dma_wait3A_97 = arith.constant 0 : i32
      %dma_wait3A_98 = tpu.memref_slice %arg5[%arg0, %mul3A_85, %dma_wait3A_97] : memref<2x10000x128xf32, #tpu.memory_space<hbm>> -> memref<1x624x128xf32, #tpu.memory_space<hbm>>
      %dma_wait3A_99 = tpu.memref_squeeze %dma_wait3A_98 : memref<1x624x128xf32, #tpu.memory_space<hbm>> -> memref<624x128xf32, #tpu.memory_space<hbm>>
      %dma_wait3A_100 = arith.constant 0 : i32
      %dma_wait3A_101 = tpu.memref_slice %arg10[%mul3A_83, %dma_wait3A_100] : memref<10000x128xf32, #tpu.memory_space<vmem_shared>> -> memref<624x128xf32, #tpu.memory_space<vmem_shared>>
      tpu.wait_dma2 semaphore(%run_scoped3A_91 : memref<!tpu.dma_semaphore, #tpu.memory_space<semaphore_mem>>) src(%dma_wait3A_101 : memref<624x128xf32, #tpu.memory_space<vmem_shared>>) dst(%dma_wait3A_99 : memref<624x128xf32, #tpu.memory_space<hbm>>)
      tpu.yield
    }) : () -> ()
    %eq3A_86 = arith.constant 0 : i32
    %eq3A_87 = arith.cmpi eq, %arg1, %eq3A_86 : i32
    %convert_element_type3A_88 = arith.extui %eq3A_87 : i1 to i32
    %cond3A_89 = arith.constant 0 : i32
    %cond3A_90 = arith.cmpi ne, %convert_element_type3A_88, %cond3A_89 : i32
    scf.if %cond3A_90 {
      "tpu.region"() ({
        %run_scoped3A_91 = tpu.sem_alloc : memref<!tpu.dma_semaphore, #tpu.memory_space<semaphore_mem>>
        %dma_start3A_92 = arith.constant 9984 : i32
        %dma_start3A_93 = arith.constant 0 : i32
        %dma_start3A_94 = tpu.memref_slice %arg5[%arg0, %dma_start3A_92, %dma_start3A_93] : memref<2x10000x128xf32, #tpu.memory_space<hbm>> -> memref<1x16x128xf32, #tpu.memory_space<hbm>>
        %dma_start3A_95 = tpu.memref_squeeze %dma_start3A_94 : memref<1x16x128xf32, #tpu.memory_space<hbm>> -> memref<16x128xf32, #tpu.memory_space<hbm>>
        %dma_start3A_96 = arith.constant 9984 : i32
        %dma_start3A_97 = arith.constant 0 : i32
        %dma_start3A_98 = tpu.memref_slice %arg10[%dma_start3A_96, %dma_start3A_97] : memref<10000x128xf32, #tpu.memory_space<vmem_shared>> -> memref<16x128xf32, #tpu.memory_space<vmem_shared>>
        tpu.enqueue_dma source(%dma_start3A_98 : memref<16x128xf32, #tpu.memory_space<vmem_shared>>) target(%dma_start3A_95 : memref<16x128xf32, #tpu.memory_space<hbm>>) target_semaphore(%run_scoped3A_91 : memref<!tpu.dma_semaphore, #tpu.memory_space<semaphore_mem>>)
        %dma_wait3A_99 = arith.constant 9984 : i32
        %dma_wait3A_100 = arith.constant 0 : i32
        %dma_wait3A_101 = tpu.memref_slice %arg5[%arg0, %dma_wait3A_99, %dma_wait3A_100] : memref<2x10000x128xf32, #tpu.memory_space<hbm>> -> memref<1x16x128xf32, #tpu.memory_space<hbm>>
        %dma_wait3A_102 = tpu.memref_squeeze %dma_wait3A_101 : memref<1x16x128xf32, #tpu.memory_space<hbm>> -> memref<16x128xf32, #tpu.memory_space<hbm>>
        %dma_wait3A_103 = arith.constant 9984 : i32
        %dma_wait3A_104 = arith.constant 0 : i32
        %dma_wait3A_105 = tpu.memref_slice %arg10[%dma_wait3A_103, %dma_wait3A_104] : memref<10000x128xf32, #tpu.memory_space<vmem_shared>> -> memref<16x128xf32, #tpu.memory_space<vmem_shared>>
        tpu.wait_dma2 semaphore(%run_scoped3A_91 : memref<!tpu.dma_semaphore, #tpu.memory_space<semaphore_mem>>) src(%dma_wait3A_105 : memref<16x128xf32, #tpu.memory_space<vmem_shared>>) dst(%dma_wait3A_102 : memref<16x128xf32, #tpu.memory_space<hbm>>)
        tpu.yield
      }) : () -> ()
    } else {
    }
    return
  }
}

module attributes {stable_mosaic.version = 14 : i64} {
  func.func @_post_body(%arg0: i32, %arg1: i32, %arg2: memref<2x1000x128xf32, #tpu.memory_space<vmem>>, %arg3: memref<16x64xf32, #tpu.memory_space<vmem>>, %arg4: memref<16x64xf32, #tpu.memory_space<vmem>>, %arg5: memref<1x128xf32, #tpu.memory_space<vmem>>, %arg6: memref<1x128xf32, #tpu.memory_space<vmem>>, %arg7: memref<1000x128xf32, #tpu.memory_space<vmem>>, %arg8: memref<10000x128xf32, #tpu.memory_space<vmem>>, %arg9: memref<8x128xf32, #tpu.memory_space<vmem>>) attributes {dimension_semantics = [#tpu.dimension_semantics<arbitrary>, #tpu.dimension_semantics<arbitrary>], iteration_bounds = array<i64: 2, 10>, scalar_prefetch = 0 : i64, scratch_operands = 2 : i64, tpu.core_type = #tpu.core_type<tc>, window_params = [{transform_indices = @transform_0, window_bounds = array<i64: 2, 1000, 128>}, {pipeline_mode = #tpu.pipeline_mode<synchronous>, transform_indices = @transform_1, window_bounds = array<i64: 16, 64>}, {pipeline_mode = #tpu.pipeline_mode<synchronous>, transform_indices = @transform_2, window_bounds = array<i64: 16, 64>}, {pipeline_mode = #tpu.pipeline_mode<synchronous>, transform_indices = @transform_3, window_bounds = array<i64: 1, 128>}, {pipeline_mode = #tpu.pipeline_mode<synchronous>, transform_indices = @transform_4, window_bounds = array<i64: 1, 128>}, {transform_indices = @transform_5, window_bounds = array<i64: 1000, 128>}]} {
    %eq3A = arith.constant 0 : i32
    %eq3A_0 = arith.cmpi eq, %arg0, %eq3A : i32
    %eq3A_1 = arith.constant 0 : i32
    %eq3A_2 = arith.cmpi eq, %arg1, %eq3A_1 : i32
    %and3A = arith.andi %eq3A_0, %eq3A_2 : i1
    %convert_element_type3A = arith.extui %and3A : i1 to i32
    %cond3A = arith.constant 0 : i32
    %cond3A_3 = arith.cmpi ne, %convert_element_type3A, %cond3A : i32
    scf.if %cond3A_3 {
      %broadcast_in_dim3A = arith.constant 0.000000e+00 : f32
      %broadcast_in_dim3A_14 = vector.broadcast %broadcast_in_dim3A : f32 to vector<8x128xf32>
      %swap3A = arith.constant 0 : index
      %swap3A_15 = arith.constant 0 : index
      %swap3A_16 = vector.load %arg9[%swap3A, %swap3A_15] : memref<8x128xf32, #tpu.memory_space<vmem>>, vector<8x128xf32>
      tpu.vector_store %arg9[%swap3A, %swap3A_15], %broadcast_in_dim3A_14 {strides = array<i32>} : memref<8x128xf32, #tpu.memory_space<vmem>>, vector<8x128xf32>,
    } else {
    }
    %eq3A_4 = arith.constant 0 : i32
    %eq3A_5 = arith.cmpi eq, %arg0, %eq3A_4 : i32
    %convert_element_type3A_6 = arith.extui %eq3A_5 : i1 to i32
    %cond3A_7 = arith.constant 0 : i32
    %cond3A_8 = arith.cmpi ne, %convert_element_type3A_6, %cond3A_7 : i32
    scf.if %cond3A_8 {
      %get3A = arith.constant 0 : index
      %get3A_14 = arith.constant 0 : index
      %get3A_15 = vector.load %arg3[%get3A, %get3A_14] : memref<16x64xf32, #tpu.memory_space<vmem>>, vector<16x64xf32>
      %split3A = vector.extract_strided_slice %get3A_15 {offsets = [0, 0], sizes = [16, 16], strides = [1, 1]} : vector<16x64xf32> to vector<16x16xf32>
      %split3A_16 = vector.extract_strided_slice %get3A_15 {offsets = [0, 16], sizes = [16, 16], strides = [1, 1]} : vector<16x64xf32> to vector<16x16xf32>
      %split3A_17 = vector.extract_strided_slice %get3A_15 {offsets = [0, 32], sizes = [16, 16], strides = [1, 1]} : vector<16x64xf32> to vector<16x16xf32>
      %split3A_18 = vector.extract_strided_slice %get3A_15 {offsets = [0, 48], sizes = [16, 16], strides = [1, 1]} : vector<16x64xf32> to vector<16x16xf32>
      %neg3A = arith.constant 0.000000e+00 : f32
      %neg3A_19 = vector.broadcast %neg3A : f32 to vector<16x16xf32>
      %neg3A_20 = arith.subf %neg3A_19, %split3A_16 : vector<16x16xf32>
      %neg3A_21 = arith.constant 0.000000e+00 : f32
      %neg3A_22 = vector.broadcast %neg3A_21 : f32 to vector<16x16xf32>
      %neg3A_23 = arith.subf %neg3A_22, %split3A_17 : vector<16x16xf32>
      %neg3A_24 = arith.constant 0.000000e+00 : f32
      %neg3A_25 = vector.broadcast %neg3A_24 : f32 to vector<16x16xf32>
      %neg3A_26 = arith.subf %neg3A_25, %split3A_18 : vector<16x16xf32>
      %concatenate3A = tpu.concatenate %split3A, %neg3A_20, %neg3A_23, %neg3A_26 in 0 : vector<16x16xf32>, vector<16x16xf32>, vector<16x16xf32>, vector<16x16xf32> -> vector<64x16xf32>
      %neg3A_27 = arith.constant 0.000000e+00 : f32
      %neg3A_28 = vector.broadcast %neg3A_27 : f32 to vector<16x16xf32>
      %neg3A_29 = arith.subf %neg3A_28, %split3A_18 : vector<16x16xf32>
      %concatenate3A_30 = tpu.concatenate %split3A_16, %split3A, %neg3A_29, %split3A_17 in 0 : vector<16x16xf32>, vector<16x16xf32>, vector<16x16xf32>, vector<16x16xf32> -> vector<64x16xf32>
      %neg3A_31 = arith.constant 0.000000e+00 : f32
      %neg3A_32 = vector.broadcast %neg3A_31 : f32 to vector<16x16xf32>
      %neg3A_33 = arith.subf %neg3A_32, %split3A_16 : vector<16x16xf32>
      %concatenate3A_34 = tpu.concatenate %split3A_17, %split3A_18, %split3A, %neg3A_33 in 0 : vector<16x16xf32>, vector<16x16xf32>, vector<16x16xf32>, vector<16x16xf32> -> vector<64x16xf32>
      %neg3A_35 = arith.constant 0.000000e+00 : f32
      %neg3A_36 = vector.broadcast %neg3A_35 : f32 to vector<16x16xf32>
      %neg3A_37 = arith.subf %neg3A_36, %split3A_17 : vector<16x16xf32>
      %concatenate3A_38 = tpu.concatenate %split3A_18, %neg3A_37, %split3A_16, %split3A in 0 : vector<16x16xf32>, vector<16x16xf32>, vector<16x16xf32>, vector<16x16xf32> -> vector<64x16xf32>
      %concatenate3A_39 = tpu.concatenate %concatenate3A, %concatenate3A_30, %concatenate3A_34, %concatenate3A_38 in 1 : vector<64x16xf32>, vector<64x16xf32>, vector<64x16xf32>, vector<64x16xf32> -> vector<64x64xf32>
      %get3A_40 = arith.constant 0 : index
      %get3A_41 = arith.constant 0 : index
      %get3A_42 = vector.load %arg4[%get3A_40, %get3A_41] : memref<16x64xf32, #tpu.memory_space<vmem>>, vector<16x64xf32>
      %split3A_43 = vector.extract_strided_slice %get3A_42 {offsets = [0, 0], sizes = [16, 16], strides = [1, 1]} : vector<16x64xf32> to vector<16x16xf32>
      %split3A_44 = vector.extract_strided_slice %get3A_42 {offsets = [0, 16], sizes = [16, 16], strides = [1, 1]} : vector<16x64xf32> to vector<16x16xf32>
      %split3A_45 = vector.extract_strided_slice %get3A_42 {offsets = [0, 32], sizes = [16, 16], strides = [1, 1]} : vector<16x64xf32> to vector<16x16xf32>
      %split3A_46 = vector.extract_strided_slice %get3A_42 {offsets = [0, 48], sizes = [16, 16], strides = [1, 1]} : vector<16x64xf32> to vector<16x16xf32>
      %neg3A_47 = arith.constant 0.000000e+00 : f32
      %neg3A_48 = vector.broadcast %neg3A_47 : f32 to vector<16x16xf32>
      %neg3A_49 = arith.subf %neg3A_48, %split3A_44 : vector<16x16xf32>
      %neg3A_50 = arith.constant 0.000000e+00 : f32
      %neg3A_51 = vector.broadcast %neg3A_50 : f32 to vector<16x16xf32>
      %neg3A_52 = arith.subf %neg3A_51, %split3A_45 : vector<16x16xf32>
      %neg3A_53 = arith.constant 0.000000e+00 : f32
      %neg3A_54 = vector.broadcast %neg3A_53 : f32 to vector<16x16xf32>
      %neg3A_55 = arith.subf %neg3A_54, %split3A_46 : vector<16x16xf32>
      %concatenate3A_56 = tpu.concatenate %split3A_43, %neg3A_49, %neg3A_52, %neg3A_55 in 0 : vector<16x16xf32>, vector<16x16xf32>, vector<16x16xf32>, vector<16x16xf32> -> vector<64x16xf32>
      %neg3A_57 = arith.constant 0.000000e+00 : f32
      %neg3A_58 = vector.broadcast %neg3A_57 : f32 to vector<16x16xf32>
      %neg3A_59 = arith.subf %neg3A_58, %split3A_46 : vector<16x16xf32>
      %concatenate3A_60 = tpu.concatenate %split3A_44, %split3A_43, %neg3A_59, %split3A_45 in 0 : vector<16x16xf32>, vector<16x16xf32>, vector<16x16xf32>, vector<16x16xf32> -> vector<64x16xf32>
      %neg3A_61 = arith.constant 0.000000e+00 : f32
      %neg3A_62 = vector.broadcast %neg3A_61 : f32 to vector<16x16xf32>
      %neg3A_63 = arith.subf %neg3A_62, %split3A_44 : vector<16x16xf32>
      %concatenate3A_64 = tpu.concatenate %split3A_45, %split3A_46, %split3A_43, %neg3A_63 in 0 : vector<16x16xf32>, vector<16x16xf32>, vector<16x16xf32>, vector<16x16xf32> -> vector<64x16xf32>
      %neg3A_65 = arith.constant 0.000000e+00 : f32
      %neg3A_66 = vector.broadcast %neg3A_65 : f32 to vector<16x16xf32>
      %neg3A_67 = arith.subf %neg3A_66, %split3A_45 : vector<16x16xf32>
      %concatenate3A_68 = tpu.concatenate %split3A_46, %neg3A_67, %split3A_44, %split3A_43 in 0 : vector<16x16xf32>, vector<16x16xf32>, vector<16x16xf32>, vector<16x16xf32> -> vector<64x16xf32>
      %concatenate3A_69 = tpu.concatenate %concatenate3A_56, %concatenate3A_60, %concatenate3A_64, %concatenate3A_68 in 1 : vector<64x16xf32>, vector<64x16xf32>, vector<64x16xf32>, vector<64x16xf32> -> vector<64x64xf32>
      %broadcast_in_dim3A = arith.constant 0.000000e+00 : f32
      %broadcast_in_dim3A_70 = vector.broadcast %broadcast_in_dim3A : f32 to vector<64x64xf32>
      %concatenate3A_71 = tpu.concatenate %concatenate3A_39, %concatenate3A_69 in 1 : vector<64x64xf32>, vector<64x64xf32> -> vector<64x128xf32>
      %concatenate3A_72 = tpu.concatenate %broadcast_in_dim3A_70, %concatenate3A_39 in 1 : vector<64x64xf32>, vector<64x64xf32> -> vector<64x128xf32>
      %concatenate3A_73 = tpu.concatenate %concatenate3A_71, %concatenate3A_72 in 0 : vector<64x128xf32>, vector<64x128xf32> -> vector<128x128xf32>
      %get3A_74 = arith.constant 0 : index
      %get3A_75 = arith.constant 0 : index
      %get3A_76 = arith.constant 0 : index
      %get3A_77 = vector.load %arg2[%get3A_74, %get3A_75, %get3A_76] : memref<2x1000x128xf32, #tpu.memory_space<vmem>>, vector<1x1000x128xf32>
      %get3A_78 = vector.shape_cast %get3A_77 : vector<1x1000x128xf32> to vector<1000x128xf32>
      %get3A_79 = arith.constant 1 : index
      %get3A_80 = arith.constant 0 : index
      %get3A_81 = arith.constant 0 : index
      %get3A_82 = vector.load %arg2[%get3A_79, %get3A_80, %get3A_81] : memref<2x1000x128xf32, #tpu.memory_space<vmem>>, vector<1x1000x128xf32>
      %get3A_83 = vector.shape_cast %get3A_82 : vector<1x1000x128xf32> to vector<1000x128xf32>
      %add3A = arith.addf %get3A_78, %get3A_83 : vector<1000x128xf32>
      %dot_general3A = arith.constant dense<0.000000e+00> : vector<1000x128xf32>
      %dot_general3A_84 = tpu.matmul %add3A, %concatenate3A_73, %dot_general3A {dimension_numbers = #tpu.dot_dimension_numbers<[1], [0], [0], [1], [0, 0, 1, 1], [], []>, precision = #tpu.contract_precision<fp32>, transpose_lhs_hint = false} : vector<1000x128xf32>, vector<128x128xf32>, vector<1000x128xf32> -> vector<1000x128xf32>
      %mul3A = arith.constant 1000 : i32
      %mul3A_85 = arith.muli %arg1, %mul3A : i32
      %swap3A = arith.index_cast %mul3A_85 : i32 to index
      %swap3A_86 = arith.constant 0 : index
      %swap3A_87 = vector.load %arg8[%swap3A, %swap3A_86] : memref<10000x128xf32, #tpu.memory_space<vmem>>, vector<1000x128xf32>
      tpu.vector_store %arg8[%swap3A, %swap3A_86], %dot_general3A_84 {strides = array<i32>} : memref<10000x128xf32, #tpu.memory_space<vmem>>, vector<1000x128xf32>,
      %get3A_88 = arith.constant 0 : index
      %get3A_89 = arith.constant 0 : index
      %get3A_90 = vector.load %arg9[%get3A_88, %get3A_89] : memref<8x128xf32, #tpu.memory_space<vmem>>, vector<1x128xf32>
      %reduce_sum3A = arith.constant dense<0.000000e+00> : vector<128xf32>
      %reduce_sum3A_91 = vector.multi_reduction <add>, %dot_general3A_84, %reduce_sum3A [0] : vector<1000x128xf32> to vector<128xf32>
      %broadcast_in_dim3A_92 = vector.shape_cast %reduce_sum3A_91 : vector<128xf32> to vector<1x128xf32>
      %add3A_93 = arith.addf %get3A_90, %broadcast_in_dim3A_92 : vector<1x128xf32>
      %swap3A_94 = arith.constant 0 : index
      %swap3A_95 = arith.constant 0 : index
      %swap3A_96 = vector.load %arg9[%swap3A_94, %swap3A_95] : memref<8x128xf32, #tpu.memory_space<vmem>>, vector<1x128xf32>
      tpu.vector_store %arg9[%swap3A_94, %swap3A_95], %add3A_93 {strides = array<i32>} : memref<8x128xf32, #tpu.memory_space<vmem>>, vector<1x128xf32>,
      %get3A_97 = arith.constant 1 : index
      %get3A_98 = arith.constant 0 : index
      %get3A_99 = vector.load %arg9[%get3A_97, %get3A_98] : memref<8x128xf32, #tpu.memory_space<vmem>>, vector<1x128xf32>
      %mul3A_100 = arith.mulf %dot_general3A_84, %dot_general3A_84 : vector<1000x128xf32>
      %reduce_sum3A_101 = arith.constant dense<0.000000e+00> : vector<128xf32>
      %reduce_sum3A_102 = vector.multi_reduction <add>, %mul3A_100, %reduce_sum3A_101 [0] : vector<1000x128xf32> to vector<128xf32>
      %broadcast_in_dim3A_103 = vector.shape_cast %reduce_sum3A_102 : vector<128xf32> to vector<1x128xf32>
      %add3A_104 = arith.addf %get3A_99, %broadcast_in_dim3A_103 : vector<1x128xf32>
      %swap3A_105 = arith.constant 1 : index
      %swap3A_106 = arith.constant 0 : index
      %swap3A_107 = vector.load %arg9[%swap3A_105, %swap3A_106] : memref<8x128xf32, #tpu.memory_space<vmem>>, vector<1x128xf32>
      tpu.vector_store %arg9[%swap3A_105, %swap3A_106], %add3A_104 {strides = array<i32>} : memref<8x128xf32, #tpu.memory_space<vmem>>, vector<1x128xf32>,
    } else {
    }
    %eq3A_9 = arith.constant 1 : i32
    %eq3A_10 = arith.cmpi eq, %arg0, %eq3A_9 : i32
    %convert_element_type3A_11 = arith.extui %eq3A_10 : i1 to i32
    %cond3A_12 = arith.constant 0 : i32
    %cond3A_13 = arith.cmpi ne, %convert_element_type3A_11, %cond3A_12 : i32
    scf.if %cond3A_13 {
      %get3A = arith.constant 0 : index
      %get3A_14 = arith.constant 0 : index
      %get3A_15 = vector.load %arg9[%get3A, %get3A_14] : memref<8x128xf32, #tpu.memory_space<vmem>>, vector<1x128xf32>
      %div3A = arith.constant 1.000000e+04 : f32
      %div3A_16 = vector.broadcast %div3A : f32 to vector<1x128xf32>
      %div3A_17 = arith.divf %get3A_15, %div3A_16 : vector<1x128xf32>
      %get3A_18 = arith.constant 1 : index
      %get3A_19 = arith.constant 0 : index
      %get3A_20 = vector.load %arg9[%get3A_18, %get3A_19] : memref<8x128xf32, #tpu.memory_space<vmem>>, vector<1x128xf32>
      %div3A_21 = arith.constant 1.000000e+04 : f32
      %div3A_22 = vector.broadcast %div3A_21 : f32 to vector<1x128xf32>
      %div3A_23 = arith.divf %get3A_20, %div3A_22 : vector<1x128xf32>
      %mul3A = arith.mulf %div3A_17, %div3A_17 : vector<1x128xf32>
      %sub3A = arith.subf %div3A_23, %mul3A : vector<1x128xf32>
      %add3A = arith.constant 9.99999974E-6 : f32
      %add3A_24 = vector.broadcast %add3A : f32 to vector<1x128xf32>
      %add3A_25 = arith.addf %sub3A, %add3A_24 : vector<1x128xf32>
      %rsqrt3A = math.rsqrt %add3A_25 : vector<1x128xf32>
      %mul3A_26 = arith.constant 1000 : i32
      %mul3A_27 = arith.muli %arg1, %mul3A_26 : i32
      %get3A_28 = arith.index_cast %mul3A_27 : i32 to index
      %get3A_29 = arith.constant 0 : index
      %get3A_30 = vector.load %arg8[%get3A_28, %get3A_29] : memref<10000x128xf32, #tpu.memory_space<vmem>>, vector<1000x128xf32>
      %sub3A_31 = vector.broadcast %div3A_17 : vector<1x128xf32> to vector<1000x128xf32>
      %sub3A_32 = arith.subf %get3A_30, %sub3A_31 : vector<1000x128xf32>
      %mul3A_33 = vector.broadcast %rsqrt3A : vector<1x128xf32> to vector<1000x128xf32>
      %mul3A_34 = arith.mulf %sub3A_32, %mul3A_33 : vector<1000x128xf32>
      %get3A_35 = arith.constant 0 : index
      %get3A_36 = arith.constant 0 : index
      %get3A_37 = vector.load %arg5[%get3A_35, %get3A_36] : memref<1x128xf32, #tpu.memory_space<vmem>>, vector<1x128xf32>
      %mul3A_38 = vector.broadcast %get3A_37 : vector<1x128xf32> to vector<1000x128xf32>
      %mul3A_39 = arith.mulf %mul3A_34, %mul3A_38 : vector<1000x128xf32>
      %get3A_40 = arith.constant 0 : index
      %get3A_41 = arith.constant 0 : index
      %get3A_42 = vector.load %arg6[%get3A_40, %get3A_41] : memref<1x128xf32, #tpu.memory_space<vmem>>, vector<1x128xf32>
      %add3A_43 = vector.broadcast %get3A_42 : vector<1x128xf32> to vector<1000x128xf32>
      %add3A_44 = arith.addf %mul3A_39, %add3A_43 : vector<1000x128xf32>
      %tanh3A = math.tanh %add3A_44 : vector<1000x128xf32>
      %swap3A = arith.constant 0 : index
      %swap3A_45 = arith.constant 0 : index
      %swap3A_46 = vector.load %arg7[%swap3A, %swap3A_45] : memref<1000x128xf32, #tpu.memory_space<vmem>>, vector<1000x128xf32>
      tpu.vector_store %arg7[%swap3A, %swap3A_45], %tanh3A {strides = array<i32>} : memref<1000x128xf32, #tpu.memory_space<vmem>>, vector<1000x128xf32>,
    } else {
    }
    return
  }
  func.func @transform_0(%arg0: i32, %arg1: i32) -> (i32, i32, i32) {
    %eq3A = arith.constant 0 : i32
    %eq3A_0 = arith.cmpi eq, %arg0, %eq3A : i32
    %jit3A = arith.constant 0 : i32
    %select_n3A = arith.select %eq3A_0, %arg1, %jit3A : i32
    %c0_i32 = arith.constant 0 : i32
    %c0_i32_1 = arith.constant 0 : i32
    %c0_i32_2 = arith.constant 0 : i32
    return %c0_i32, %select_n3A, %c0_i32_1 : i32, i32, i32
  }
  func.func @transform_1(%arg0: i32, %arg1: i32) -> (i32, i32) {
    %c0_i32 = arith.constant 0 : i32
    %c0_i32_0 = arith.constant 0 : i32
    %c0_i32_1 = arith.constant 0 : i32
    return %c0_i32, %c0_i32_0 : i32, i32
  }
  func.func @transform_2(%arg0: i32, %arg1: i32) -> (i32, i32) {
    %c0_i32 = arith.constant 0 : i32
    %c0_i32_0 = arith.constant 0 : i32
    %c0_i32_1 = arith.constant 0 : i32
    return %c0_i32, %c0_i32_0 : i32, i32
  }
  func.func @transform_3(%arg0: i32, %arg1: i32) -> (i32, i32) {
    %c0_i32 = arith.constant 0 : i32
    %c0_i32_0 = arith.constant 0 : i32
    %c0_i32_1 = arith.constant 0 : i32
    return %c0_i32, %c0_i32_0 : i32, i32
  }
  func.func @transform_4(%arg0: i32, %arg1: i32) -> (i32, i32) {
    %c0_i32 = arith.constant 0 : i32
    %c0_i32_0 = arith.constant 0 : i32
    %c0_i32_1 = arith.constant 0 : i32
    return %c0_i32, %c0_i32_0 : i32, i32
  }
  func.func @transform_5(%arg0: i32, %arg1: i32) -> (i32, i32) {
    %eq3A = arith.constant 0 : i32
    %eq3A_0 = arith.cmpi eq, %arg0, %eq3A : i32
    %jit3A = arith.constant 0 : i32
    %select_n3A = arith.select %eq3A_0, %jit3A, %arg1 : i32
    %c0_i32 = arith.constant 0 : i32
    %c0_i32_1 = arith.constant 0 : i32
    return %select_n3A, %c0_i32 : i32, i32
  }
}

</mosaic_0001>

<sc_bundles>
// kernel: kernel.4.cloned.1.call-start
scs
__scs_entry_jumppad:
0x0: {  	(pc) =	sbr.rel $0x88, $3  }
0x1: {  	(tag) =	ssettag $0x0;
	lr =	simm.s32 $0x1  }
0x2: {  	[smem:$0x3F9B] =	sst lr;
	_ =	strace $0xD0000000  }
0x3: {  	_ = 	snop  }
0x4: {  	_ = 	snop  }
0x5: {  	_ = 	snop  }
0x6: {  	_ = 	snop  }
0x7: {  	_ = 	snop  }
__scs_overlays_trampoline_lowered:
0x8: {  	[smem:$0x3FAA] =	sst s0  }
0x9: {  	[smem:$0x3FAB] =	sst s1  }
0xa: {  	[smem:$0x3FAC] =	sst s2  }
0xb: {  	[smem:$0x3FAD] =	sst s3  }
0xc: {  	[smem:$0x3FAE] =	sst s4  }
0xd: {  	[smem:$0x3FAF] =	sst s5  }
0xe: {  	[smem:$0x3FB0] =	sst s6  }
0xf: {  	[smem:$0x3FB1] =	sst s7  }
0x10: {  	[smem:$0x3FB2] =	sst s8  }
0x11: {  	[smem:$0x3FB3] =	sst s9;
	s0 =	simm.s32 @!p0 $0x0  }
0x12: {  	s1 =	sld [smem:$0x3F99];
	s0 =	simm.s32 @p0 $0x1  }
0x13: {  	[smem:$0x3FB4] =	sst s0;
	s0 =	simm.s32 @!p1 $0x0  }
0x14: {  	s2 =	sld [smem:$0x3F98];
	s0 =	simm.s32 @p1 $0x1  }
0x15: {  	[smem:$0x3FB5] =	sst s0;
	s0 =	simm.s32 @!p2 $0x0  }
0x16: {  	s3 =	sld [smem:$0x3FDB];
	s0 =	simm.s32 @p2 $0x1  }
0x17: {  	s4 =	simm.s32 $0x1BF5;
	[smem:$0x3FB7] =	sst s0  }
0x18: {  	s0 =	sld [smem:$0x3F9A];
	_ =	swait.ge [sflag:s4], $0x0  }
0x19: {  	s7 =	sld [smem:$0x3F9B]  }
0x1a: {  	s8 =	sadd.s32 $0xFFFFE003, lr  }
0x1b: {  	s9 =	sadd.s32 $0xFFFFFEF7, lr;
	s5 =	simm.s32 $0xFFFFFFFF;
	p2 =	slt.u32 s8, $0xFFFFF086  }
0x1c: {  	p1 =	slt.u32 s9, $0xF7A;
	s5 =	simm.s32 @!p2 $0x0  }
0x1d: {  	s5 =	simm.s32 @p1 $0x1;
	p0 =	seq.s32 s7, s2  }
0x1e: {  	s7 =	smul.u32 @!p0 $0xF7A, s2;
	p2 =	seq.s32 @!p0 s5, $0x0  }
0x1f: {  	s9 =	smul.u32 $0xF7A, s1;
	s8 =	simm.s32 @!p0 $0x1BF5;
	p2 =	por !p2, p0  }
0x20: {  	[sflag:s8] =	ssyncset.s32 @!p0 $0xFFFFF086;
	s6 =	sadd.s32 @!p0 s3, s7;
	s7 =	simm.s32 @!p0 $0x108  }
0x21: {  	s3 =	sadd.s32 s3, s9;
	s6 =	sadd.s32 @!p0 $0x88, s6;
	s7 =	simm.s32 @p2 $0x1082  }
0x22: {  	[simem:s7], [sflag:s8] =	dma.local @!p0 [hbm:s6], $0xF7A  }
0x23: {  	s9 =	sor.u32 $0xD0000000, s2;
	s6 =	simm.s32 $0x108;
	_ =	swait.ge @!p0 [sflag:s8], $0x0  }
0x24: {  	s3 =	sadd.s32 $0x88, s3;
	s6 =	simm.s32 @!p1 $0x1082;
	[sflag:s4] =	ssyncset.s32 $0xFFFFF086  }
0x25: {  	[simem:s6], [sflag:s4] =	dma.local [hbm:s3], $0xF7A  }
0x26: {  	[smem:$0x3F9B] =	sst s1;
	(tag) =	ssettag s2;
	_ =	strace s9  }
0x27: {  	s1 =	sld [smem:$0x3FAB]  }
0x28: {  	s2 =	sld [smem:$0x3FAC]  }
0x29: {  	s4 =	sld [smem:$0x3FAE]  }
0x2a: {  	p0 =	seq.s32 s5, $0x0;
	s5 =	sld [smem:$0x3FAF]  }
0x2b: {  	s6 =	sld [smem:$0x3FB0]  }
0x2c: {  	s7 =	sld [smem:$0x3FB1]  }
0x2d: {  	s3 =	simm.s32 $0x108;
	s8 =	sld [smem:$0x3FB2]  }
0x2e: {  	s3 =	simm.s32 @!p0 $0x1082;
	s9 =	sld [smem:$0x3FB3]  }
0x2f: {  	lr =	sadd.s32 s0, s3;
	s0 =	sld [smem:$0x3FAA]  }
0x30: {  	s3 =	sld [smem:$0x3FAD]  }
0x31: {  	[smem:$0x3FB6] =	sst s10  }
0x32: {  	s10 =	sld [smem:$0x3FB4];
	_ =	sdelay $0x3  }
0x33: {  	p0 =	seq.s32 s10, $0x1;
	s10 =	sld [smem:$0x3FB6];
	_ =	sdelay $0x3  }
0x34: {  	[smem:$0x3FB6] =	sst s10  }
0x35: {  	s10 =	sld [smem:$0x3FB5];
	_ =	sdelay $0x3  }
0x36: {  	p1 =	seq.s32 s10, $0x1;
	s10 =	sld [smem:$0x3FB6];
	_ =	sdelay $0x3  }
0x37: {  	[smem:$0x3FB6] =	sst s10  }
0x38: {  	s10 =	sld [smem:$0x3FB7]  }
0x39: {  	_ = 	snop;
	(pc) =	sbr.ind lr, $3  }
0x3a: {  	_ = 	snop  }
0x3b: {  	_ = 	snop  }
0x3c: {  	p2 =	seq.s32 s10, $0x1;
	s10 =	sld [smem:$0x3FB6]  }
0x3d: {  	_ =	shalt  }
0x3e: {  	_ =	shalt  }
0x3f: {  	_ =	shalt  }
0x40: {  	_ =	shalt  }
0x41: {  	_ =	shalt  }
0x42: {  	_ =	shalt  }
0x43: {  	_ =	shalt  }
0x44: {  	_ =	shalt  }
0x45: {  	_ =	shalt  }
0x46: {  	_ =	shalt  }
0x47: {  	_ =	shalt  }
0x48: {  	_ =	shalt  }
0x49: {  	_ =	shalt  }
0x4a: {  	_ =	shalt  }
0x4b: {  	_ =	shalt  }
0x4c: {  	_ =	shalt  }
0x4d: {  	_ =	shalt  }
0x4e: {  	_ =	shalt  }
0x4f: {  	_ =	shalt  }
0x50: {  	_ =	shalt  }
0x51: {  	_ =	shalt  }
0x52: {  	_ =	shalt  }
0x53: {  	_ =	shalt  }
0x54: {  	_ =	shalt  }
0x55: {  	_ =	shalt  }
0x56: {  	_ =	shalt  }
0x57: {  	_ =	shalt  }
0x58: {  	_ =	shalt  }
0x59: {  	_ =	shalt  }
0x5a: {  	_ =	shalt  }
0x5b: {  	_ =	shalt  }
0x5c: {  	_ =	shalt  }
0x5d: {  	_ =	shalt  }
0x5e: {  	_ =	shalt  }
0x5f: {  	_ =	shalt  }
0x60: {  	_ =	shalt  }
0x61: {  	_ =	shalt  }
0x62: {  	_ =	shalt  }
0x63: {  	_ =	shalt  }
0x64: {  	_ =	shalt  }
0x65: {  	_ =	shalt  }
0x66: {  	_ =	shalt  }
0x67: {  	_ =	shalt  }
0x68: {  	_ =	shalt  }
0x69: {  	_ =	shalt  }
0x6a: {  	_ =	shalt  }
0x6b: {  	_ =	shalt  }
0x6c: {  	_ =	shalt  }
0x6d: {  	_ =	shalt  }
0x6e: {  	_ =	shalt  }
0x6f: {  	_ =	shalt  }
0x70: {  	_ =	shalt  }
0x71: {  	_ =	shalt  }
0x72: {  	_ =	shalt  }
0x73: {  	_ =	shalt  }
0x74: {  	_ =	shalt  }
0x75: {  	_ =	shalt  }
0x76: {  	_ =	shalt  }
0x77: {  	_ =	shalt  }
0x78: {  	_ =	shalt  }
0x79: {  	_ =	shalt  }
0x7a: {  	_ =	shalt  }
0x7b: {  	_ =	shalt  }
0x7c: {  	_ =	shalt  }
0x7d: {  	_ =	shalt  }
0x7e: {  	_ =	shalt  }
0x7f: {  	_ =	shalt  }
0x80: {  	_ =	shalt  }
0x81: {  	_ =	shalt  }
0x82: {  	_ =	shalt  }
0x83: {  	_ =	shalt  }
0x84: {  	_ =	shalt  }
0x85: {  	_ =	shalt  }
0x86: {  	_ =	shalt  }
0x87: {  	_ =	shalt  }
.Lfunc_end0:
.L_simem_size_0:
called_computation_lowered:
.L_overlay_start_0:
0x88: {  	s2 =	sld [smem:$0x3FD9]  }
0x89: {  	s3 =	sld [smem:$0x3FFE];
	_ =	sdelay $0x1  }
0x8a: {  	s1 =	srdreg.scid  }
0x8b: {  	s0 =	sand.u32 $0x1, s1  }
0x8c: {  	s17 =	sshll.u32 s0, $0xA;
	s2 =	sadd.s32 s3, s2  }
0x8d: {  	s2 =	sadd.s32 s2, s17  }
0x8e: {  	[smem:$0x3FC2] =	sst s2  }
0x8f: {  	_ = 	snop  }
0x90: {  	s2 =	sld [smem:$0x3FC9]  }
0x91: {  	s18 =	sld [smem:$0x3FD0];
	(tm) =	ssettm $0x1  }
0x92: {  	s4 =	sld [smem:$0x3FFB];
	_ =	sdelay $0x3  }
0x93: {  	_ =	strace s4  }
0x94: {  	s4 =	sld [smem:$0x3FFC];
	_ =	sdelay $0x3  }
0x95: {  	_ =	strace s4  }
0x96: {  	s4 =	sld [smem:$0x3FFD];
	_ =	sdelay $0x3  }
0x97: {  	_ =	strace s4  }
0x98: {  	_ =	strace $0x8FFFFFFF  }
0x99: {  	s19 =	sld [smem:$0x3FDB];
	_ =	sdelay $0x1  }
0x9a: {  	s5 =	simm.s32 $_scs_section_size  }
0x9b: {  	s6 =	simm.s32 $_size__tile_overlayer_lowered;
	s7 =	simm.s32 $_tile_overlayer_lowered  }
0x9c: {  	s22 =	simm.s32 $0x1BFF;
	s21 =	sshll.u32 s7, $0x1;
	s4 =	sadd.s32 s5, s19  }
0x9d: {  	s8 =	simm.s32 $0x0;
	s20 =	sshll.u32 s6, $0x1;
	s6 =	sadd.s32 s21, s4  }
0x9e: {  	[timem:s8], [sflag:s22] =	dma.local [hbm:s6], s20  }
0x9f: {  	_ =	swait.ge [sflag:s22], s20  }
0xa0: {  	s5 =	ssub.s32 $0x0, s20;
	[sflag:s22] =	ssyncset.done $0x0  }
0xa1: {  	[sflag:s22] =	ssyncadd.s32 s5;
	_ =	sdelay $0x1  }
0xa2: {  	s23 =	simm.s32 $0x1B8B  }
0xa3: {  	_ =	swait.ge [sflag:s23], $0x1  }
0xa4: {  	[sflag:s23] =	ssyncset.done $0x0  }
0xa5: {  	s25 =	simm.s32 $0x1B8E;
	s24 =	sld [smem:$0x3FFE];
	[sflag:s23] =	ssyncadd.s32 $0xFFFFFFFF  }
0xa6: {  	s26 =	simm.s32 $execute0_lowered;
	[smem:$0x3FD2] =	sst s25  }
0xa7: {  	s6 =	sshll.u32 s26, $0x1;
	_ =	strace $0x80000046;
	[dreg:$0x1] =	wrdreg $0xFFFFFFFF  }
0xa8: {  	s28 =	simm.s32 $_size_execute0_lowered;
	s4 =	sadd.s32 s4, s6;
	[dreg:$0x0] =	wrdreg $0x0  }
0xa9: {  	s6 =	sshll.u32 s28, $0x1;
	[dreg:$0x2] =	wrdreg s4  }
0xaa: {  	[dreg:$0x3] =	wrdreg s6  }
0xab: {  	[dreg:$0x4] =	wrdreg $0xC0  }
0xac: {  	_ =	task [dreg:s8], $0x5FFFF  }
0xad: {  	[dreg:$0x1] =	wrdreg $0xFFFFFFFF  }
0xae: {  	[dreg:$0x0] =	wrdreg $0x60  }
0xaf: {  	[dreg:$0x2] =	wrdreg s2  }
0xb0: {  	[dreg:$0x3] =	wrdreg s18  }
0xb1: {  	[dreg:$0x4] =	wrdreg s24  }
0xb2: {  	[dreg:$0x5] =	wrdreg $0xA0000  }
0xb3: {  	[dreg:$0x6] =	wrdreg $0x9  }
0xb4: {  	_ =	task.clear_ibuf [dreg:s8], $0x7FFFF;
	_ =	strace $0x90000046  }
0xb5: {  	s29 =	simm.s32 $0x9;
	_ =	strace $0x80000048  }
0xb6: {  	_ =	swait.ge [sflag:s29], $0x1  }
0xb7: {  	[sflag:s29] =	ssyncadd.s32 $0xFFFFFFFF  }
0xb8: {  	_ =	strace $0x90000048  }
0xb9: {  	_ =	sfence  }
0xba: {  	s30 =	sld [smem:$0x0];
	_ =	sdelay $0x2  }
0xbb: {  	s31 =	sshll.u32 s1, $0xD;
	s1 =	sshrl.u32 s1, $0x2  }
0xbc: {  	s3 =	sand.u32 $0x4000, s31;
	s1 =	sadd.s32 s1, s30  }
0xbd: {  	s0 =	sor.u32 s3, s0;
	s1 =	sshll.u32 s1, $0x11  }
0xbe: {  	s0 =	sor.u32 s1, s0  }
0xbf: {  	s0 =	sadd.s32 $0x8F2B, s0  }
0xc0: {  	[sflag:s0] =	ssyncadd.remote.s32 $0x1  }
0xc1: {  	_ =	sfence.sel $0xFFFF  }
0xc2: {  	[dreg:$0x0] =	wrdreg $0xFFFFFFFF;
	(pc) =	sbr.abs _section_cstart, $3  }
0xc3: {  	[dreg:$0x1] =	wrdreg $0xFFFFFFFF  }
0xc4: {  	_ =	task.clear_ibuf [dreg:s8], $0x2FFFF;
	_ =	strace $0x9FFFFFFF  }
0xc5: {  	(tm) =	ssettm $0x7FFFFFFF  }
tec
execute0_lowered:
.L_overlay_start_1:
0x0: {  	(tag) =	ssettag $0x1  }
0x1: {  	s1 =	rddreg [dreg:$0x0]  }
0x2: {  	s0 =	rddreg [dreg:$0x1]  }
0x3: {  	s4 =	rddreg [dreg:$0x2]  }
0x4: {  	s2 =	rddreg [dreg:$0x3];
	s5 =	srdreg.scid;
	s3 =	simm.s32 $0x0  }
0x5: {  	s23 =	stileid.u32;
	s28 =	simm.s32 $0x6C00;
	s29 =	simm.s32 $0x2  }
0x6: {  	s30 =	simm.s32 $0x1C80;
	s31 =	simm.s32 $0x3;
	s6 =	sand.u32 $0x1, s5  }
0x7: {  	[smem:$0x7FF] =	sst s3;
	s7 =	smul.u32 $0x4E000, s23;
	s8 =	sadd.s32 $0x600, s4  }
0x8: {  	s4 =	sadd.s32 $0xE600, s4;
	s25 =	smul.u32 $0x13800, s23;
	s15 =	sadd.s32 $0x138000, s2  }
0x9: {  	p0 =	sne.s32 s23, $0x0;
	s5 =	sshll.u32 s6, $0x4;
	s9 =	ssub.s32 $0x2, s6  }
0xa: {  	s6 =	smul.u32 $0x138800, s6;
	s5 =	sor.u32 s23, s5;
	s10 =	sshrl.u32 s9, $0x1  }
0xb: {  	_ =	strace $0x80000047;
	s5 =	smul.u32 $0x3800, s5;
	s20 =	ssub.s32 s9, s10  }
0xc: {  	s7 =	sshrl.u32 s7, $0x2;
	s23 =	simm.s32 $0x3800;
	s20 =	smax.u32 s20, $0x1  }
0xd: {  	s16 =	sshrl.u32 s5, $0x3;
	s5 =	sadd.s32 s7, s2;
	s7 =	sadd.s32 s25, s6  }
0xe: {  	s6 =	sshrl.u32 s6, $0x3;
	s25 =	simm.s32 $0x1;
	s19 =	sadd.s32 s0, s16  }
0xf: {  	s21 =	sadd.s32 s8, s16;
	s22 =	sadd.s32 $0x2800, s5;
	s24 =	sadd.s32 $0x5000, s5  }
0x10: {  	s10 =	sadd.s32 $0x7800, s5;
	s11 =	sadd.s32 $0xA000, s5;
	s12 =	sadd.s32 $0xC800, s5  }
0x11: {  	s13 =	sadd.s32 $0xF000, s5;
	s14 =	sadd.s32 $0x11800, s5;
	[dreg:$0x5] =	wrdreg s19  }
0x12: {  	s17 =	sadd.s32 $0x380, s16;
	s26 =	sshrl.u32 s7, $0x3;
	[dreg:$0x6] =	wrdreg s21  }
.Ltmp0:
0x13: {  	s6 =	sadd.s32 s4, s6;
	[dreg:$0x7] =	wrdreg s22;
	(pc) =	sbr.rel .LBB2_1-.Ltmp0, $4  }
0x14: {  	[dreg:$0x8] =	wrdreg s24;
	s16 =	sadd.s32 s0, s17;
	s17 =	sadd.s32 s8, s17  }
0x15: {  	s18 =	sadd.s32 s4, s26;
	s19 =	sadd.s32 $0x27000, s6;
	s21 =	simm.s32 $0x5  }
0x16: {  	s22 =	simm.s32 $0x1C00;
	s24 =	simm.s32 $0x64;
	s26 =	simm.s32 $0x80  }
0x17: {  	v0 =	vimm.f32 $0.0e+00;
	s0 =	simm.s32 $0x100;
	s4 =	simm.s32 $0x4;
	s6 =	simm.s32 $0x0  }
.LBB2_9:
0x18: {  	_ =	swait.ge [sflag:s4], $0x3200  }
0x19: {  	s7 =	stileid.u32;
	[sflag:s4] =	ssyncset.done $0x0  }
0x1a: {  	s7 =	sshll.u32 s7, $0x6;
	[sflag:s4] =	ssyncadd.s32 $0xFFFFCE00  }
0x1b: {  	s8 =	sshrl.u32 s5, $0x3;
	s7 =	sor.u32 $0x1C05, s7;
	[bflag:$0x0] =	sbarrier.arrive $0xFFFF  }
0x1c: {  	[hbm:s18], [sflag:s7] =	dma.local [spmem:s8], $0x2700  }
0x1d: {  	_ =	swait.ge [sflag:s21], $0x2700  }
0x1e: {  	s6 =	sadd.s32 $0x1, s6;
	[sflag:s21] =	ssyncset.done $0x0  }
0x1f: {  	p1 =	sne.s32 s6, s20;
	s8 =	sshrl.u32 @!p0 s15, $0x3;
	[sflag:s21] =	ssyncadd.s32 $0xFFFFD900  }
0x20: {  	[hbm:s19], [sflag:s7] =	dma.local @!p0 [spmem:s8], $0x100  }
.Ltmp1:
0x21: {  	_ = 	snop;
	(pc) =	sbr.rel @!p1 .LBB2_10-.Ltmp1, $4  }
0x22: {  	s7 =	simm.s32 @!p0 $0x5  }
0x23: {  	_ =	swait.ge @!p0 [sflag:s7], $0x100  }
0x24: {  	[sflag:s7] =	ssyncset.done @!p0 $0x0  }
0x25: {  	[sflag:s7] =	ssyncadd.s32 @!p0 $0xFFFFFF00  }
.LBB2_1:
0x26: {  	s7 =	rddreg [dreg:$0x5]  }
0x27: {  	[tilespmem:s3], [sflag:$0x5] =	stream.linear.gather [hbm4b:s7+s3], $0x1900, $0x38;
	[tilespmem:$0x1D880] =	vst v63  }
0x28: {  	_ =	swait.ge [sflag:s21], $0x1900  }
0x29: {  	[sflag:s21] =	ssyncset.done $0x0  }
0x2a: {  	s9 =	rddreg [dreg:$0x6];
	[sflag:s21] =	ssyncadd.s32 $0xFFFFE700  }
0x2b: {  	[tilespmem:s22], [sflag:$0x5] =	stream.linear.gather [hbm4b:s9+s3], $0x1900, $0x38;
	[tilespmem:$0x1D880] =	vst v63  }
0x2c: {  	_ =	swait.ge [sflag:s21], $0x1900  }
0x2d: {  	[sflag:s21] =	ssyncset.done $0x0  }
0x2e: {  	s8 =	simm.s32 $0x200;
	s7 =	simm.s32 $0x0;
	[sflag:s21] =	ssyncadd.s32 $0xFFFFE700  }
.LBB2_2:
0x2f: {  	p1 =	sne.s32 s8, $0xC600;
	[tilespmem:s7+$0x3870] =	vst v0  }
0x30: {  	[tilespmem:s7+$0x3800] =	vst v0  }
0x31: {  	[tilespmem:s7+$0x3810] =	vst v0  }
.Ltmp2:
0x32: {  	[tilespmem:s7+$0x3820] =	vst v0;
	(pc) =	sbr.rel @p1 .LBB2_2-.Ltmp2, $4  }
0x33: {  	[tilespmem:s7+$0x3830] =	vst v0  }
0x34: {  	[tilespmem:s7+$0x3840] =	vst v0  }
0x35: {  	[tilespmem:s7+$0x3850] =	vst v0  }
0x36: {  	[tilespmem:s7+$0x3860] =	vst v0;
	s7 =	sshra.s32 s8, $0x2;
	s8 =	sadd.s32 $0x200, s8  }
0x37: {  	[tilespmem:s7+$0x3870] =	vst v0  }
0x38: {  	[tilespmem:s7+$0x3800] =	vst v0  }
0x39: {  	[tilespmem:s7+$0x3810] =	vst v0  }
0x3a: {  	[tilespmem:s7+$0x3820] =	vst v0  }
0x3b: {  	[tilespmem:s7+$0x3830] =	vst v0  }
0x3c: {  	[tilespmem:s7+$0x3840] =	vst v0  }
0x3d: {  	[tilespmem:s7+$0x3850] =	vst v0  }
0x3e: {  	[tilespmem:s7+$0x3860] =	vst v0  }
0x3f: {  	[spmem:s5] =	stream.linear.scatter [tilespmem:s23], [sflag:$0x5], $0x2800, $0x38;
	[tilespmem:$0x1D880] =	vst v63  }
0x40: {  	_ =	swait.ge [sflag:s21], $0x2800  }
0x41: {  	[sflag:s21] =	ssyncset.done $0x0  }
0x42: {  	s8 =	rddreg [dreg:$0x7];
	[sflag:s21] =	ssyncadd.s32 $0xFFFFD800  }
0x43: {  	[spmem:s8] =	stream.linear.scatter [tilespmem:s23], [sflag:$0x5], $0x2800, $0x38;
	[tilespmem:$0x1D880] =	vst v63  }
0x44: {  	_ =	swait.ge [sflag:s21], $0x2800  }
0x45: {  	[sflag:s21] =	ssyncset.done $0x0  }
0x46: {  	s9 =	rddreg [dreg:$0x8];
	[sflag:s21] =	ssyncadd.s32 $0xFFFFD800  }
0x47: {  	[spmem:s9] =	stream.linear.scatter [tilespmem:s23], [sflag:$0x5], $0x2800, $0x38;
	[tilespmem:$0x1D880] =	vst v63  }
0x48: {  	_ =	swait.ge [sflag:s21], $0x2800  }
0x49: {  	[sflag:s21] =	ssyncset.done $0x0  }
0x4a: {  	[sflag:s21] =	ssyncadd.s32 $0xFFFFD800  }
0x4b: {  	[spmem:s10] =	stream.linear.scatter [tilespmem:s23], [sflag:$0x5], $0x2800, $0x38;
	[tilespmem:$0x1D880] =	vst v63  }
0x4c: {  	_ =	swait.ge [sflag:s21], $0x2800  }
0x4d: {  	[sflag:s21] =	ssyncset.done $0x0  }
0x4e: {  	[sflag:s21] =	ssyncadd.s32 $0xFFFFD800  }
0x4f: {  	[spmem:s11] =	stream.linear.scatter [tilespmem:s23], [sflag:$0x5], $0x2800, $0x38;
	[tilespmem:$0x1D880] =	vst v63  }
0x50: {  	_ =	swait.ge [sflag:s21], $0x2800  }
0x51: {  	[sflag:s21] =	ssyncset.done $0x0  }
0x52: {  	[sflag:s21] =	ssyncadd.s32 $0xFFFFD800  }
0x53: {  	[spmem:s12] =	stream.linear.scatter [tilespmem:s23], [sflag:$0x5], $0x2800, $0x38;
	[tilespmem:$0x1D880] =	vst v63  }
0x54: {  	_ =	swait.ge [sflag:s21], $0x2800  }
0x55: {  	[sflag:s21] =	ssyncset.done $0x0  }
0x56: {  	[sflag:s21] =	ssyncadd.s32 $0xFFFFD800  }
0x57: {  	[spmem:s13] =	stream.linear.scatter [tilespmem:s23], [sflag:$0x5], $0x2800, $0x38;
	[tilespmem:$0x1D880] =	vst v63  }
0x58: {  	_ =	swait.ge [sflag:s21], $0x2800  }
0x59: {  	[sflag:s21] =	ssyncset.done $0x0  }
0x5a: {  	[sflag:s21] =	ssyncadd.s32 $0xFFFFD800  }
0x5b: {  	[spmem:s14] =	stream.linear.scatter [tilespmem:s23], [sflag:$0x5], $0x2000, $0x38;
	[tilespmem:$0x1D880] =	vst v63  }
0x5c: {  	_ =	swait.ge [sflag:s21], $0x2000  }
0x5d: {  	[sflag:s21] =	ssyncset.done $0x0  }
0x5e: {  	s7 =	simm.s32 @!p0 $0x3800;
	[sflag:s21] =	ssyncadd.s32 $0xFFFFE000  }
0x5f: {  	[spmem:s15] =	stream.linear.scatter @!p0 [tilespmem:s7], [sflag:$0x5], $0x800, $0x38;
	[tilespmem:$0x1D880] =	vst v63  }
0x60: {  	s7 =	simm.s32 @!p0 $0x5  }
0x61: {  	_ =	swait.ge @!p0 [sflag:s7], $0x800  }
0x62: {  	[sflag:s7] =	ssyncset.done @!p0 $0x0  }
0x63: {  	[sflag:s7] =	ssyncadd.s32 @!p0 $0xFFFFF800  }
0x64: {  	[tilespmem:s23], [sflag:$0x1] =	stream.indirect.gather [hbm4b:s1+s24], $0x80, s3, s24, $0xb8;
	[tilespmem:$0x1D880] =	vst v63  }
0x65: {  	[bflag:$0x0] =	sbarrier.arrive $0xFFFF  }
0x66: {  	_ =	swait.ge [sflag:s25], $0x3200  }
0x67: {  	[sflag:s25] =	ssyncset.done $0x0  }
0x68: {  	[sflag:s25] =	ssyncadd.s32 $0xFFFFCE00  }
0x69: {  	[spmem:s2] =	stream.indirect.scatter.add.f32 [tilespmem:s23], [sflag:$0x3], $0x80, s22, s24, $0xb8;
	[tilespmem:$0x1D880] =	vst v63  }
0x6a: {  	_ = 	snop  }
0x6b: {  	[tilespmem:s28], [sflag:$0x2] =	stream.indirect.gather [hbm4b:s1+s24], $0x80, s26, s24, $0xb8;
	[tilespmem:$0x1D880] =	vst v63  }
0x6c: {  	_ =	swait.ge [sflag:s29], $0x3200  }
0x6d: {  	[sflag:s29] =	ssyncset.done $0x0  }
0x6e: {  	[sflag:s29] =	ssyncadd.s32 $0xFFFFCE00  }
0x6f: {  	[spmem:s2] =	stream.indirect.scatter.add.f32 [tilespmem:s28], [sflag:$0x4], $0x80, s30, s24, $0xb8;
	[tilespmem:$0x1D880] =	vst v63  }
0x70: {  	_ =	swait.ge [sflag:s31], $0x3200  }
0x71: {  	[sflag:s31] =	ssyncset.done $0x0  }
0x72: {  	s7 =	simm.s32 $0xFFFFA400;
	[sflag:s31] =	ssyncadd.s32 $0xFFFFCE00  }
0x73: {  	[tilespmem:s23], [sflag:$0x1] =	stream.indirect.gather [hbm4b:s1+s24], $0x80, s0, s24, $0xb8;
	[tilespmem:$0x1D880] =	vst v63  }
.LBB2_4:
0x74: {  	_ =	swait.ge [sflag:s25], $0x3200  }
0x75: {  	s8 =	sshra.s32 s7, $0x2;
	[sflag:s25] =	ssyncset.done $0x0  }
0x76: {  	s9 =	sadd.s32 $0x3400, s8;
	[sflag:s25] =	ssyncadd.s32 $0xFFFFCE00  }
0x77: {  	[spmem:s2] =	stream.indirect.scatter.add.f32 [tilespmem:s23], [sflag:$0x3], $0x80, s9, s24, $0xb8;
	[tilespmem:$0x1D880] =	vst v63  }
0x78: {  	_ =	swait.ge [sflag:s4], $0x3200  }
0x79: {  	[sflag:s4] =	ssyncset.done $0x0  }
0x7a: {  	s9 =	sadd.s32 $0x1880, s8;
	[sflag:s4] =	ssyncadd.s32 $0xFFFFCE00  }
0x7b: {  	[tilespmem:s28], [sflag:$0x2] =	stream.indirect.gather [hbm4b:s1+s24], $0x80, s9, s24, $0xb8;
	[tilespmem:$0x1D880] =	vst v63  }
0x7c: {  	_ =	swait.ge [sflag:s29], $0x3200  }
0x7d: {  	p1 =	seq.s32 s7, $0x0;
	[sflag:s29] =	ssyncset.done $0x0  }
.Ltmp3:
0x7e: {  	s9 =	sadd.s32 $0x3480, s8;
	[sflag:s29] =	ssyncadd.s32 $0xFFFFCE00;
	(pc) =	sbr.rel @p1 .LBB2_6-.Ltmp3, $4  }
0x7f: {  	[spmem:s2] =	stream.indirect.scatter.add.f32 [tilespmem:s28], [sflag:$0x4], $0x80, s9, s24, $0xb8;
	[tilespmem:$0x1D880] =	vst v63  }
0x80: {  	_ =	swait.ge [sflag:s31], $0x3200  }
0x81: {  	[sflag:s31] =	ssyncset.done $0x0  }
0x82: {  	[sflag:s31] =	ssyncadd.s32 $0xFFFFCE00  }
.Ltmp4:
0x83: {  	(pc) =	sbr.rel .LBB2_4-.Ltmp4, $3  }
0x84: {  	_ =	sdelay $0x1  }
0x85: {  	s8 =	sadd.s32 $0x1900, s8;
	s7 =	sadd.s32 $0x400, s7  }
0x86: {  	[tilespmem:s23], [sflag:$0x1] =	stream.indirect.gather [hbm4b:s1+s24], $0x80, s8, s24, $0xb8;
	[tilespmem:$0x1D880] =	vst v63  }
.LBB2_6:
0x87: {  	_ =	swait.ge [sflag:s4], $0x3200  }
0x88: {  	[sflag:s4] =	ssyncset.done $0x0  }
0x89: {  	[sflag:s4] =	ssyncadd.s32 $0xFFFFCE00  }
0x8a: {  	[tilespmem:s3], [sflag:$0x5] =	stream.linear.gather [hbm4b:s16+s3], $0x1900, $0x38;
	[tilespmem:$0x1D880] =	vst v63  }
0x8b: {  	_ =	swait.ge [sflag:s21], $0x1900  }
0x8c: {  	[sflag:s21] =	ssyncset.done $0x0  }
0x8d: {  	[sflag:s21] =	ssyncadd.s32 $0xFFFFE700  }
0x8e: {  	[tilespmem:s22], [sflag:$0x5] =	stream.linear.gather [hbm4b:s17+s3], $0x1900, $0x38;
	[tilespmem:$0x1D880] =	vst v63  }
0x8f: {  	_ =	swait.ge [sflag:s21], $0x1900  }
0x90: {  	[sflag:s21] =	ssyncset.done $0x0  }
0x91: {  	[sflag:s21] =	ssyncadd.s32 $0xFFFFE700  }
0x92: {  	[tilespmem:s23], [sflag:$0x1] =	stream.indirect.gather [hbm4b:s1+s24], $0x80, s3, s24, $0xb8;
	[tilespmem:$0x1D880] =	vst v63  }
0x93: {  	_ =	swait.ge [sflag:s25], $0x3200  }
0x94: {  	[sflag:s25] =	ssyncset.done $0x0  }
0x95: {  	[sflag:s25] =	ssyncadd.s32 $0xFFFFCE00  }
0x96: {  	[spmem:s2] =	stream.indirect.scatter.add.f32 [tilespmem:s23], [sflag:$0x3], $0x80, s22, s24, $0xb8;
	[tilespmem:$0x1D880] =	vst v63  }
0x97: {  	_ = 	snop  }
0x98: {  	[tilespmem:s28], [sflag:$0x2] =	stream.indirect.gather [hbm4b:s1+s24], $0x80, s26, s24, $0xb8;
	[tilespmem:$0x1D880] =	vst v63  }
0x99: {  	_ =	swait.ge [sflag:s29], $0x3200  }
0x9a: {  	[sflag:s29] =	ssyncset.done $0x0  }
0x9b: {  	[sflag:s29] =	ssyncadd.s32 $0xFFFFCE00  }
0x9c: {  	[spmem:s2] =	stream.indirect.scatter.add.f32 [tilespmem:s28], [sflag:$0x4], $0x80, s30, s24, $0xb8;
	[tilespmem:$0x1D880] =	vst v63  }
0x9d: {  	_ =	swait.ge [sflag:s31], $0x3200  }
0x9e: {  	[sflag:s31] =	ssyncset.done $0x0  }
0x9f: {  	s7 =	simm.s32 $0xFFFFA400;
	[sflag:s31] =	ssyncadd.s32 $0xFFFFCE00  }
0xa0: {  	[tilespmem:s23], [sflag:$0x1] =	stream.indirect.gather [hbm4b:s1+s24], $0x80, s0, s24, $0xb8;
	[tilespmem:$0x1D880] =	vst v63  }
.LBB2_7:
0xa1: {  	_ =	swait.ge [sflag:s25], $0x3200  }
0xa2: {  	s8 =	sshra.s32 s7, $0x2;
	[sflag:s25] =	ssyncset.done $0x0  }
0xa3: {  	s9 =	sadd.s32 $0x3400, s8;
	[sflag:s25] =	ssyncadd.s32 $0xFFFFCE00  }
0xa4: {  	[spmem:s2] =	stream.indirect.scatter.add.f32 [tilespmem:s23], [sflag:$0x3], $0x80, s9, s24, $0xb8;
	[tilespmem:$0x1D880] =	vst v63  }
0xa5: {  	_ =	swait.ge [sflag:s4], $0x3200  }
0xa6: {  	[sflag:s4] =	ssyncset.done $0x0  }
0xa7: {  	s9 =	sadd.s32 $0x1880, s8;
	[sflag:s4] =	ssyncadd.s32 $0xFFFFCE00  }
0xa8: {  	[tilespmem:s28], [sflag:$0x2] =	stream.indirect.gather [hbm4b:s1+s24], $0x80, s9, s24, $0xb8;
	[tilespmem:$0x1D880] =	vst v63  }
0xa9: {  	_ =	swait.ge [sflag:s29], $0x3200  }
0xaa: {  	p1 =	seq.s32 s7, $0x0;
	[sflag:s29] =	ssyncset.done $0x0  }
.Ltmp5:
0xab: {  	s9 =	sadd.s32 $0x3480, s8;
	[sflag:s29] =	ssyncadd.s32 $0xFFFFCE00;
	(pc) =	sbr.rel @p1 .LBB2_9-.Ltmp5, $4  }
0xac: {  	[spmem:s2] =	stream.indirect.scatter.add.f32 [tilespmem:s28], [sflag:$0x4], $0x80, s9, s24, $0xb8;
	[tilespmem:$0x1D880] =	vst v63  }
0xad: {  	_ =	swait.ge [sflag:s31], $0x3200  }
0xae: {  	[sflag:s31] =	ssyncset.done $0x0  }
0xaf: {  	[sflag:s31] =	ssyncadd.s32 $0xFFFFCE00  }
.Ltmp6:
0xb0: {  	(pc) =	sbr.rel .LBB2_7-.Ltmp6, $3  }
0xb1: {  	_ =	sdelay $0x1  }
0xb2: {  	s8 =	sadd.s32 $0x1900, s8;
	s7 =	sadd.s32 $0x400, s7  }
0xb3: {  	[tilespmem:s23], [sflag:$0x1] =	stream.indirect.gather [hbm4b:s1+s24], $0x80, s8, s24, $0xb8;
	[tilespmem:$0x1D880] =	vst v63  }
.LBB2_10:
0xb4: {  	_ =	sfence.sel $0x180000  }
0xb5: {  	[bflag:$0x0] =	sbarrier.arrive $0xFFFF  }
0xb6: {  	_ =	strace $0x90000047  }
0xb7: {  	[bflag:$0x2] =	sbarrier.arrive $0xFFFF  }
0xb8: {  	s0 =	rddreg [dreg:$0x4]  }
0xb9: {  	s0 =	sadd.s32 @!p0 $0x100000, s0  }
0xba: {  	[sflag:s0] =	ssyncadd.tile.s32 @!p0 $0x1;
	_ =	shalt  }
.Lfunc_end2:
_tile_overlayer_lowered:
.L_overlay_start_2:
0xbb: {  	(tag) =	ssettag $0x2  }
0xbc: {  	s0 =	rddreg [dreg:$0x0];
	s2 =	stileid.u32  }
0xbd: {  	s1 =	rddreg [dreg:$0x1];
	p0 =	sne.s32 s2, $0x0  }
0xbe: {  	s3 =	rddreg [dreg:$0x2];
	[bflag:$0x3] =	sbarrier.arrive $0xFFFF;
	s2 =	simm.s32 @!p0 $0x1C05  }
0xbf: {  	[timem:s3], [sflag:s2] =	dma.local @!p0 [hbm:s0], s1  }
0xc0: {  	s0 =	simm.s32 @!p0 $0x5  }
0xc1: {  	_ =	swait.ge @!p0 [sflag:s0], s1  }
0xc2: {  	s1 =	ssub.s32 @!p0 $0x0, s1;
	[sflag:s0] =	ssyncset.done @!p0 $0x0  }
0xc3: {  	[sflag:s0] =	ssyncadd.s32 @!p0 s1  }
0xc4: {  	[bflag:$0x3] =	sbarrier.arrive $0xFFFF  }
0xc5: {  	_ =	shalt  }

</sc_bundles>
